<compile_context>
chip_gen: v7x
topology: tpu7x:2x2x1
jax: 0.10.2.dev20260603
libtpu: 0.0.44.dev20260713+nightly
codegen_flags: <defaults>
</compile_context>

<pallas_src>
import functools

import jax
import jax.numpy as jnp
import numpy as np
from jax import lax
from jax.experimental import pallas as pl
from jax.experimental.pallas import tpu as pltpu
from jax.experimental.pallas import tpu_sc as plsc

_NC = 80
_HYP_BOX, _HYP_OBJ, _HYP_CLS = 0.05, 1.0, 0.5
_BALANCE = (4.0, 1.0, 0.4)
_ANCHOR_T = 4.0

_araw = np.array([[10, 13, 16, 30, 33, 23],
                  [30, 61, 62, 45, 59, 119],
                  [116, 90, 156, 198, 373, 326]], dtype=np.float32).reshape(3, 3, 2)
_strides = np.array([256.0 / 32.0, 256.0 / 16.0, 256.0 / 8.0], dtype=np.float32)
_ANC = _araw / _strides.reshape(3, 1, 1)

_HW = ((80, 80), (40, 40), (20, 20))
_RPB = 256
_NBLK = 48
_ROWS = _NBLK * _RPB
_NWORK = 32
_RPW = _ROWS // _NWORK


def _build_level(lvl, boxes, labels):
    H, W = _HW[lvl]
    anc = jnp.asarray(_ANC[lvl])
    Wf, Hf = float(W), float(H)
    x1, y1, x2, y2 = boxes[..., 0], boxes[..., 1], boxes[..., 2], boxes[..., 3]
    gx = (x1 + x2) * 0.5 * Wf
    gy = (y1 + y2) * 0.5 * Hf
    gw = (x2 - x1) * Wf
    gh = (y2 - y1) * Hf

    rw = gw[..., None] / anc[None, None, :, 0]
    rh = gh[..., None] / anc[None, None, :, 1]
    mr = jnp.maximum(jnp.maximum(rw, 1.0 / rw),
                     jnp.maximum(rh, 1.0 / rh)) < _ANCHOR_T

    jx = (jnp.mod(gx, 1.0) < 0.5) & (gx > 1.0)
    jy = (jnp.mod(gy, 1.0) < 0.5) & (gy > 1.0)
    gxi = Wf - gx
    gyi = Hf - gy
    lx = (jnp.mod(gxi, 1.0) < 0.5) & (gxi > 1.0)
    ly = (jnp.mod(gyi, 1.0) < 0.5) & (gyi > 1.0)
    offv = jnp.stack([jnp.ones_like(jx), jx, jy, lx, ly])

    offs = np.array([[0, 0], [1, 0], [0, 1], [-1, 0], [0, -1]],
                    dtype=np.float32) * 0.5
    gx5 = gx[None] - offs[:, 0, None, None]
    gy5 = gy[None] - offs[:, 1, None, None]
    gi = jnp.clip(gx5.astype(jnp.int32), 0, W - 1)
    gj = jnp.clip(gy5.astype(jnp.int32), 0, H - 1)

    B, T = labels.shape
    bidx = jnp.arange(B, dtype=jnp.int32)[None, None, :, None]
    aidx = jnp.arange(3, dtype=jnp.int32)[None, :, None, None]
    gi4 = gi[:, None]
    gj4 = gj[:, None]
    cell = (((bidx * 3 + aidx) * H + gj4) * W + gi4)
    mask = offv[:, None] & jnp.transpose(mr, (2, 0, 1))[None]

    tbx = (gx[None] - gi.astype(jnp.float32))[:, None]
    tby = (gy[None] - gj.astype(jnp.float32))[:, None]
    tbw = gw[None, None]
    tbh = gh[None, None]
    anw = anc[:, 0][None, :, None, None]
    anh = anc[:, 1][None, :, None, None]
    tcl = labels.astype(jnp.float32)[None, None]

    def flat(x, fill):
        x = jnp.broadcast_to(x, (5, 3, B, T)).astype(jnp.float32)
        x = jnp.transpose(x, (2, 1, 0, 3)).reshape(B * 3, 250)
        x = jnp.pad(x, ((0, 0), (0, _RPB - 250)), constant_values=fill)
        return x.reshape(-1)

    cellf = flat(cell.astype(jnp.float32), 0.0)
    maskf = flat(mask.astype(jnp.float32), 0.0)
    meta = jnp.stack([flat(tbx, 0.0), flat(tby, 0.0), flat(tbw, 1.0),
                      flat(tbh, 1.0), flat(anw, 1.0), flat(anh, 1.0),
                      maskf, cellf, flat(tcl, 0.0)] +
                     [jnp.zeros(_ROWS, jnp.float32)] * 7, axis=1)
    return cellf.astype(jnp.int32), meta


def _sc_gather(t0, t1, t2, idx2d):
    mesh = plsc.VectorSubcoreMesh(core_axis_name="c", subcore_axis_name="s")

    @functools.partial(
        pl.kernel, mesh=mesh,
        out_type=jax.ShapeDtypeStruct((3 * _ROWS, 128), jnp.float32),
        compiler_params=pltpu.CompilerParams(use_tc_tiling_on_sc=False),
        scratch_types=[
            pltpu.VMEM((8, 128), jnp.int32),
            pltpu.VMEM((_RPW, 128), jnp.float32),
            pltpu.SemaphoreType.DMA,
        ],
    )
    def k(tab0, tab1, tab2, idx_hbm, out_hbm, idx_v, rows_v, sem):
        wid = lax.axis_index("s") * 2 + lax.axis_index("c")
        for lvl, tab in enumerate((tab0, tab1, tab2)):
            pltpu.sync_copy(idx_hbm.at[pl.ds(lvl * 256 + wid * 8, 8)], idx_v)
            cps = [pltpu.async_copy(tab.at[idx_v.at[kk]],
                                    rows_v.at[pl.ds(kk * 128, 128)], sem)
                   for kk in range(3)]
            for cp in cps:
                cp.wait()
            pltpu.sync_copy(rows_v, out_hbm.at[pl.ds(lvl * _ROWS + wid * _RPW,
                                                     _RPW)])

    return k(t0, t1, t2, idx2d)


def _softplus(x):
    return jnp.maximum(x, 0.0) + jnp.log(1.0 + jnp.exp(-jnp.abs(x)))


def _atan_pos(x):
    big = x > 2.414213562373095
    mid = (x > 0.4142135623730951) & jnp.logical_not(big)
    xr = jnp.where(big, -1.0 / jnp.maximum(x, 1e-30),
                   jnp.where(mid, (x - 1.0) / (x + 1.0), x))
    y0 = jnp.where(big, np.pi / 2, jnp.where(mid, np.pi / 4, 0.0))
    z = xr * xr
    p = (((8.05374449538e-2 * z - 1.38776856032e-1) * z
          + 1.99777106478e-1) * z - 3.33329491539e-1) * z * xr + xr
    return y0 + p


def _row_body(g_ref, meta_ref, cellrow_ref, out_ref):
    g = g_ref[...]
    meta = meta_ref[...]
    tbx, tby = meta[:, 0:1], meta[:, 1:2]
    tbw, tbh = meta[:, 2:3], meta[:, 3:4]
    anw, anh = meta[:, 4:5], meta[:, 5:6]
    m = meta[:, 6:7]
    cell = meta[:, 7:8]
    tcls = meta[:, 8:9]
    cell_row = cellrow_ref[0:1, :]

    s = jax.nn.sigmoid(g[:, 0:4])
    px = s[:, 0:1] * 2.0 - 0.5
    py = s[:, 1:2] * 2.0 - 0.5
    pw = (s[:, 2:3] * 2.0) ** 2 * anw
    ph = (s[:, 3:4] * 2.0) ** 2 * anh

    eps = 1e-7
    p_x1, p_x2 = px - pw * 0.5, px + pw * 0.5
    p_y1, p_y2 = py - ph * 0.5, py + ph * 0.5
    t_x1, t_x2 = tbx - tbw * 0.5, tbx + tbw * 0.5
    t_y1, t_y2 = tby - tbh * 0.5, tby + tbh * 0.5
    iw = jnp.maximum(jnp.minimum(p_x2, t_x2) - jnp.maximum(p_x1, t_x1), 0.0)
    ih = jnp.maximum(jnp.minimum(p_y2, t_y2) - jnp.maximum(p_y1, t_y1), 0.0)
    inter = iw * ih
    union = pw * ph + tbw * tbh - inter + eps
    iou = inter / union
    cw = jnp.maximum(p_x2, t_x2) - jnp.minimum(p_x1, t_x1)
    ch = jnp.maximum(p_y2, t_y2) - jnp.minimum(p_y1, t_y1)
    c2 = cw * cw + ch * ch + eps
    rho2 = (tbx - px) ** 2 + (tby - py) ** 2
    v = (4.0 / (np.pi ** 2)) * (_atan_pos(tbw / (tbh + eps)) -
                                _atan_pos(pw / (ph + eps))) ** 2
    alpha = v / (v - iou + (1.0 + eps))
    ciou = iou - (rho2 / c2 + v * alpha)

    jj = lax.broadcasted_iota(jnp.int32, (_RPB, _RPB), 1)
    ii = lax.broadcasted_iota(jnp.int32, (_RPB, _RPB), 0)
    mrow = cellrow_ref[1:2, :]
    later = jj > ii
    losts = []
    for k in range(12):
        sl = slice(k * _RPB, (k + 1) * _RPB)
        dup = ((cell[sl] == cell_row[:, sl]) & later & (mrow[:, sl] > 0.0))
        losts.append(jnp.max(jnp.where(dup, 1.0, 0.0), axis=1, keepdims=True))
    lost = jnp.concatenate(losts, axis=0)
    win = m * (1.0 - lost)

    cls_logits = g[:, 5:85]
    sp_sum = jnp.sum(_softplus(cls_logits), axis=1, keepdims=True)
    iota_c = lax.broadcasted_iota(jnp.int32, (12 * _RPB, _NC), 1)
    picked = jnp.sum(jnp.where(iota_c == tcls.astype(jnp.int32),
                               cls_logits, 0.0), axis=1, keepdims=True)
    row_cls = sp_sum - picked

    g4 = g[:, 4:5]
    s_box = jnp.sum(m * (1.0 - ciou), axis=0, keepdims=True)
    cnt = jnp.sum(m, axis=0, keepdims=True)
    s_cls = jnp.sum(m * row_cls, axis=0, keepdims=True)
    corr = jnp.sum(win * jnp.maximum(ciou, 0.0) * g4, axis=0, keepdims=True)
    out_ref[...] = jnp.concatenate([s_box, cnt, s_cls, corr],
                                   axis=1).reshape(1, 1, 4)


def _row_kernel(gath, meta, metat):
    nstep = 12
    return pl.pallas_call(
        _row_body,
        grid=(nstep,),
        in_specs=[
            pl.BlockSpec((12 * _RPB, 128), lambda i: (i, 0)),
            pl.BlockSpec((12 * _RPB, 16), lambda i: (i, 0)),
            pl.BlockSpec((2, 12 * _RPB), lambda i: (0, i)),
        ],
        out_specs=pl.BlockSpec((1, 1, 4), lambda i: (i, 0, 0)),
        out_shape=jax.ShapeDtypeStruct((nstep, 1, 4), jnp.float32),
    )(gath, meta, metat)


def _dense_body(x_ref, pad_ref, sum_ref):
    @pl.when(pl.program_id(0) == 0)
    def _():
        sum_ref[...] = jnp.zeros((1, 1), jnp.float32)
    x = x_ref[...]
    pad_ref[...] = jnp.concatenate(
        [x, jnp.zeros((x.shape[0], 43), jnp.float32)], axis=1)
    sum_ref[...] += jnp.sum(_softplus(x[:, 4:5]), axis=0, keepdims=True)


def _dense_pad(tab, block_rows):
    n = tab.shape[0]
    return pl.pallas_call(
        _dense_body,
        grid=(n // block_rows,),
        in_specs=[pl.BlockSpec((block_rows, 85), lambda i: (i, 0))],
        out_specs=[pl.BlockSpec((block_rows, 128), lambda i: (i, 0)),
                   pl.BlockSpec((1, 1), lambda i: (0, 0))],
        out_shape=[jax.ShapeDtypeStruct((n, 128), jnp.float32),
                   jax.ShapeDtypeStruct((1, 1), jnp.float32)],
    )(tab)


def kernel(pred0, pred1, pred2, boxes, labels):
    tabs = [pred0.reshape(-1, 85), pred1.reshape(-1, 85), pred2.reshape(-1, 85)]

    cells, metas = [], []
    for lvl in range(3):
        c, meta = _build_level(lvl, boxes, labels)
        cells.append(c)
        metas.append(meta)

    idx2d = jnp.concatenate(
        [jnp.pad(c.reshape(32, 3, 128), ((0, 0), (0, 5), (0, 0))).reshape(256, 128)
         for c in cells], axis=0)
    meta = jnp.concatenate(metas, axis=0)
    metat = jnp.stack([meta[:, 7], meta[:, 6]], axis=0)

    pad_sums = [_dense_pad(tabs[0], 4096),
                _dense_pad(tabs[1], 3840),
                _dense_pad(tabs[2], 3840)]
    dense = [s[0, 0] for _, s in pad_sums]

    gath = _sc_gather(pad_sums[0][0], pad_sums[1][0], pad_sums[2][0], idx2d)
    parts = _row_kernel(gath, meta, metat)
    parts = parts.reshape(3, 4, 4).sum(axis=1)

    lbox = jnp.zeros(())
    lobj = jnp.zeros(())
    lcls = jnp.zeros(())
    for i in range(3):
        s_box, cnt, s_cls, corr = parts[i, 0], parts[i, 1], parts[i, 2], parts[i, 3]
        ncell = float(tabs[i].shape[0])
        lbox = lbox + s_box / jnp.maximum(cnt, 1.0)
        lobj = lobj + (dense[i] - corr) / ncell * _BALANCE[i]
        lcls = lcls + s_cls / jnp.maximum(cnt * _NC, 1.0)
    bs_q = 16.0 / 4.0
    return jnp.stack([lbox * _HYP_BOX * bs_q,
                      lobj * _HYP_OBJ * bs_q,
                      lcls * _HYP_CLS * bs_q])

# --- scband reference (transcript-rebuilt; emitter-appended) ---
"""Pipeline reference for scband-yolo-loss-36043365548612 (READ-ONLY COPY).

The authoritative reference and input builder live on the scoring server;
editing this copy changes nothing except your own understanding.
"""

import jax, jax.numpy as jnp
import numpy as np

NC = 80
HYP_BOX, HYP_OBJ, HYP_CLS, ANCHOR_T = 0.05, 1.0, 0.5, 4.0
BALANCE = [4.0, 1.0, 0.4]
CP, CN = 1.0, 0.0

_araw = np.array([[10,13,16,30,33,23],[30,61,62,45,59,119],[116,90,156,198,373,326]], dtype=np.float32).reshape(3,3,2)
_strides = np.array([256.0/32.0, 256.0/16.0, 256.0/8.0], dtype=np.float32)
ANCHORS = jnp.asarray(_araw / _strides.reshape(3,1,1))

def xyxy2cxcywh(b):
    cx = (b[:,0]+b[:,2])*0.5
    cy = (b[:,1]+b[:,3])*0.5
    w = b[:,2]-b[:,0]
    h = b[:,3]-b[:,1]
    return jnp.stack([cx,cy,w,h], axis=1)

def bce_logits(x, t):
    return jnp.mean(-(t*jax.nn.log_sigmoid(x) + (1.0-t)*jax.nn.log_sigmoid(-x)))

def bce_logits_elem(x, t):
    return -(t*jax.nn.log_sigmoid(x) + (1.0-t)*jax.nn.log_sigmoid(-x))

def ciou(pbox, tbox, eps=1e-7):
    px,py,pw,ph = pbox[:,0],pbox[:,1],pbox[:,2],pbox[:,3]
    tx,ty,tw,th = tbox[:,0],tbox[:,1],tbox[:,2],tbox[:,3]
    p_x1,p_x2 = px-pw*0.5, px+pw*0.5
    p_y1,p_y2 = py-ph*0.5, py+ph*0.5
    t_x1,t_x2 = tx-tw*0.5, tx+tw*0.5
    t_y1,t_y2 = ty-th*0.5, ty+th*0.5
    iw = jnp.maximum(jnp.minimum(p_x2,t_x2)-jnp.maximum(p_x1,t_x1), 0.0)
    ih = jnp.maximum(jnp.minimum(p_y2,t_y2)-jnp.maximum(p_y1,t_y1), 0.0)
    inter = iw*ih
    union = pw*ph + tw*th - inter + eps
    iou = inter/union
    cw = jnp.maximum(p_x2,t_x2)-jnp.minimum(p_x1,t_x1)
    ch = jnp.maximum(p_y2,t_y2)-jnp.minimum(p_y1,t_y1)
    c2 = cw*cw + ch*ch + eps
    rho2 = (tx-px)**2 + (ty-py)**2
    v = (4.0/(np.pi**2)) * (jnp.arctan(tw/(th+eps)) - jnp.arctan(pw/(ph+eps)))**2
    alpha = jax.lax.stop_gradient(v/(v - iou + (1.0+eps)))
    c = iou - (rho2/c2 + v*alpha)
    return jnp.mean(1.0 - c), c

def build_targets(pred_shapes, labels, boxes):
    B,T = labels.shape
    na = ANCHORS.shape[1]
    cwh = xyxy2cxcywh(boxes.reshape(-1,4))
    img = jnp.repeat(jnp.arange(B, dtype=jnp.float32), T)
    cls = labels.reshape(-1).astype(jnp.float32)
    targets = jnp.concatenate([img[:,None], cls[:,None], cwh], axis=1)
    nt = targets.shape[0]
    ai = jnp.tile(jnp.arange(na, dtype=jnp.float32)[:,None], (1,nt))
    targets = jnp.concatenate([jnp.tile(targets[None],(na,1,1)), ai[...,None]], axis=2)
    g = 0.5
    off = jnp.array([[0,0],[1,0],[0,1],[-1,0],[0,-1]], dtype=jnp.float32)*g
    tcls,tbox,indices,anch = [],[],[],[]
    for i in range(3):
        anc = ANCHORS[i]
        H,W = pred_shapes[i][2], pred_shapes[i][3]
        gain = jnp.array([1,1,W,H,W,H,1], dtype=jnp.float32)
        t = targets*gain
        r = t[...,4:6]/anc[:,None,:]
        m = jnp.max(jnp.maximum(r, 1.0/r), axis=2) < ANCHOR_T
        tf = t.reshape(-1, 7)
        mf = m.reshape(-1)
        gxy = tf[:,2:4]
        gxi = jnp.array([W,H], dtype=jnp.float32) - gxy
        jk = (jnp.mod(gxy,1.0) < g) & (gxy > 1.0)
        lm = (jnp.mod(gxi,1.0) < g) & (gxi > 1.0)
        jall = jnp.stack([jnp.ones_like(jk[:,0]), jk[:,0], jk[:,1], lm[:,0], lm[:,1]])
        mask = (jall & mf[None]).reshape(-1)
        t5 = jnp.tile(tf[None],(5,1,1)).reshape(-1, 7)
        offsets = (jnp.zeros_like(gxy)[None] + off[:,None,:]).reshape(-1, 2)
        b = t5[:,0].astype(jnp.int32)
        c = t5[:,1].astype(jnp.int32)
        gxy2 = t5[:,2:4]
        gwh = t5[:,4:6]
        a = t5[:,6].astype(jnp.int32)
        gij = (gxy2 - offsets).astype(jnp.int32)
        gi = jnp.clip(gij[:,0], 0, W-1)
        gj = jnp.clip(gij[:,1], 0, H-1)
        indices.append((b,a,gj,gi,mask))
        gij_cl = jnp.stack([gi,gj], axis=1).astype(jnp.float32)
        tbox.append(jnp.concatenate([gxy2 - gij_cl, gwh], axis=1))
        anch.append(anc[a])
        tcls.append(c)
    return tcls,tbox,indices,anch

def loss_from_preds(preds, tcls, tbox, indices, anch):
    lbox = jnp.zeros(())
    lobj = jnp.zeros(())
    lcls = jnp.zeros(())
    for i,pi in enumerate(preds):
        b,a,gj,gi,mk = indices[i]
        tobj = jnp.zeros(pi.shape[:4], dtype=pi.dtype)
        n = int(b.shape[0])
        cnt = jnp.sum(mk.astype(pi.dtype))
        ps = pi[b,a,gj,gi]
        pxy = jax.nn.sigmoid(ps[:,0:2])*2.0 - 0.5
        pwh = (jax.nn.sigmoid(ps[:,2:4])*2.0)**2 * anch[i]
        pbox = jnp.concatenate([pxy,pwh], axis=1)
        _, iou = ciou(pbox, tbox[i])
        il = jnp.sum(jnp.where(mk, 1.0 - iou, 0.0)) / jnp.maximum(cnt, 1.0)
        lbox = lbox + il
        iou_d = jnp.maximum(jax.lax.stop_gradient(iou), 0.0)
        b_s = jnp.where(mk, b, pi.shape[0])
        tobj = tobj.at[b_s,a,gj,gi].set(iou_d.astype(tobj.dtype), mode='drop')
        tc = jnp.full((n,NC), CN, dtype=ps.dtype)
        tc = tc.at[jnp.arange(n), tcls[i]].set(CP)
        cls_terms = bce_logits_elem(ps[:,5:], tc)
        cls_sum = jnp.sum(jnp.where(mk[:,None], cls_terms, 0.0))
        lcls = lcls + cls_sum / jnp.maximum(cnt*NC, 1.0)
        lobj = lobj + bce_logits(pi[...,4], tobj)*BALANCE[i]
    lbox = lbox*HYP_BOX
    lobj = lobj*HYP_OBJ
    lcls = lcls*HYP_CLS
    bs = preds[0].shape[0]
    return jnp.stack([lbox*bs/4.0, lobj*bs/4.0, lcls*bs/4.0])

def setup_inputs(seed: int = 0):
    key = jax.random.key(seed)
    k0,k1,k2,k3,k4,k5 = jax.random.split(key, 6)
    pred0 = jax.random.normal(k0, (16,3,80,80,85), dtype=jnp.float32)
    pred1 = jax.random.normal(k1, (16,3,40,40,85), dtype=jnp.float32)
    pred2 = jax.random.normal(k2, (16,3,20,20,85), dtype=jnp.float32)
    labels = jax.random.randint(k3, (16,50), 0, 80)
    cxy = jax.random.uniform(k4, (16,50,2), minval=0.2, maxval=0.8)
    wh = jax.random.uniform(k5, (16,50,2), minval=0.05, maxval=0.25)
    boxes = jnp.concatenate([cxy-wh*0.5, cxy+wh*0.5], axis=-1)
    return {'pred0': pred0, 'pred1': pred1, 'pred2': pred2, 'boxes': boxes, 'labels': labels}

def reference(pred0, pred1, pred2, boxes, labels):
    preds = [pred0, pred1, pred2]
    shapes = [p.shape for p in preds]
    tcls, tbox, indices, anch = build_targets(shapes, labels, boxes)
    return loss_from_preds(preds, tcls, tbox, indices, anch)

if __name__ == "__main__":
    import jax
    _d = setup_inputs()
    print(jax.jit(kernel)(*tuple(_d.values())))

</pallas_src>

<mosaic_0001>
#map = affine_map<(d0, d1) -> (0, 0)>
module attributes {stable_mosaic.version = 14 : i64} {
  func.func @k(%arg0: i32, %arg1: i32, %arg2: memref<307200x128xf32, #tpu.memory_space<hbm>>, %arg3: memref<76800x128xf32, #tpu.memory_space<hbm>>, %arg4: memref<19200x128xf32, #tpu.memory_space<hbm>>, %arg5: memref<768x128xi32, #tpu.memory_space<hbm>>, %arg6: memref<36864x128xf32, #tpu.memory_space<hbm>>, %arg7: memref<8x128xi32, #tpu.memory_space<vmem>>, %arg8: memref<384x128xf32, #tpu.memory_space<vmem>>, %arg9: memref<!tpu.dma_semaphore, #tpu.memory_space<semaphore_mem>>) attributes {dimension_semantics = [#tpu.dimension_semantics<core_parallel>, #tpu.dimension_semantics<subcore_parallel>], iteration_bounds = array<i64: 2, 16>, scalar_prefetch = 0 : i64, scratch_operands = 3 : i64, tpu.core_type = #tpu.core_type<sc_vector_subcore>, window_params = [{transform_indices = #map}, {transform_indices = #map}, {transform_indices = #map}, {transform_indices = #map}, {transform_indices = #map}]} {
    %mul3A = arith.constant 2 : i32
    %mul3A_0 = arith.muli %arg1, %mul3A : i32
    %add3A = arith.addi %mul3A_0, %arg0 : i32
    %mul3A_1 = arith.constant 8 : i32
    %mul3A_2 = arith.muli %add3A, %mul3A_1 : i32
    %add3A_3 = arith.constant 0 : i32
    %add3A_4 = arith.addi %add3A_3, %mul3A_2 : i32
    "tpu.region"() ({
      %run_scoped3A = tpu.sem_alloc : memref<!tpu.dma_semaphore, #tpu.memory_space<semaphore_mem>>
      %dma_start3A_203 = arith.constant 0 : i32
      %dma_start3A_204 = tpu.memref_slice %arg5[%add3A_4, %dma_start3A_203] : memref<768x128xi32, #tpu.memory_space<hbm>> -> memref<8x128xi32, #tpu.memory_space<hbm>>
      %dma_start3A_205 = arith.constant 0 : i32
      %dma_start3A_206 = tpu.memref_slice %arg5[%add3A_4, %dma_start3A_205] : memref<768x128xi32, #tpu.memory_space<hbm>> -> memref<8x128xi32, #tpu.memory_space<hbm>>
      tpu.enqueue_dma source(%dma_start3A_206 : memref<8x128xi32, #tpu.memory_space<hbm>>) target(%arg7 : memref<8x128xi32, #tpu.memory_space<vmem>>) target_semaphore(%run_scoped3A : memref<!tpu.dma_semaphore, #tpu.memory_space<semaphore_mem>>)
      %dma_wait3A_207 = arith.constant 0 : i32
      %dma_wait3A_208 = tpu.memref_slice %arg5[%add3A_4, %dma_wait3A_207] : memref<768x128xi32, #tpu.memory_space<hbm>> -> memref<8x128xi32, #tpu.memory_space<hbm>>
      %dma_wait3A_209 = arith.constant 0 : i32
      %dma_wait3A_210 = tpu.memref_slice %arg5[%add3A_4, %dma_wait3A_209] : memref<768x128xi32, #tpu.memory_space<hbm>> -> memref<8x128xi32, #tpu.memory_space<hbm>>
      tpu.wait_dma2 semaphore(%run_scoped3A : memref<!tpu.dma_semaphore, #tpu.memory_space<semaphore_mem>>) src(%dma_wait3A_210 : memref<8x128xi32, #tpu.memory_space<hbm>>) dst(%arg7 : memref<8x128xi32, #tpu.memory_space<vmem>>)
      tpu.yield
    }) : () -> ()
    %dma_start3A = arith.constant 0 : i32
    %dma_start3A_5 = arith.constant 0 : i32
    %dma_start3A_6 = arith.constant 0 : i32
    %dma_start3A_7 = tpu.memref_slice %arg8[%dma_start3A_5, %dma_start3A_6] : memref<384x128xf32, #tpu.memory_space<vmem>> -> memref<128x128xf32, #tpu.memory_space<vmem>>
    %dma_start3A_8 = arith.constant 0 : i32
    %dma_start3A_9 = tpu.memref_slice %arg7[%dma_start3A, %dma_start3A_8] : memref<8x128xi32, #tpu.memory_space<vmem>> -> memref<1x128xi32, #tpu.memory_space<vmem>>
    %dma_start3A_10 = tpu.memref_squeeze %dma_start3A_9 : memref<1x128xi32, #tpu.memory_space<vmem>> -> memref<128xi32, #tpu.memory_space<vmem>>
    %dma_start3A_11 = arith.constant 0 : i32
    %dma_start3A_12 = arith.constant 0 : i32
    %dma_start3A_13 = tpu.memref_slice %arg2[%dma_start3A_11, %dma_start3A_12] : memref<307200x128xf32, #tpu.memory_space<hbm>> -> memref<307200x128xf32, #tpu.memory_space<hbm>>
    tpu.enqueue_indirect_dma source(%dma_start3A_13 : memref<307200x128xf32, #tpu.memory_space<hbm>>) target(%dma_start3A_7 : memref<128x128xf32, #tpu.memory_space<vmem>>) offsets(%dma_start3A_10 : memref<128xi32, #tpu.memory_space<vmem>>) semaphore(%arg9 : memref<!tpu.dma_semaphore, #tpu.memory_space<semaphore_mem>>)
    %dma_start3A_14 = arith.constant 1 : i32
    %dma_start3A_15 = arith.constant 128 : i32
    %dma_start3A_16 = arith.constant 0 : i32
    %dma_start3A_17 = tpu.memref_slice %arg8[%dma_start3A_15, %dma_start3A_16] : memref<384x128xf32, #tpu.memory_space<vmem>> -> memref<128x128xf32, #tpu.memory_space<vmem>>
    %dma_start3A_18 = arith.constant 0 : i32
    %dma_start3A_19 = tpu.memref_slice %arg7[%dma_start3A_14, %dma_start3A_18] : memref<8x128xi32, #tpu.memory_space<vmem>> -> memref<1x128xi32, #tpu.memory_space<vmem>>
    %dma_start3A_20 = tpu.memref_squeeze %dma_start3A_19 : memref<1x128xi32, #tpu.memory_space<vmem>> -> memref<128xi32, #tpu.memory_space<vmem>>
    %dma_start3A_21 = arith.constant 0 : i32
    %dma_start3A_22 = arith.constant 0 : i32
    %dma_start3A_23 = tpu.memref_slice %arg2[%dma_start3A_21, %dma_start3A_22] : memref<307200x128xf32, #tpu.memory_space<hbm>> -> memref<307200x128xf32, #tpu.memory_space<hbm>>
    tpu.enqueue_indirect_dma source(%dma_start3A_23 : memref<307200x128xf32, #tpu.memory_space<hbm>>) target(%dma_start3A_17 : memref<128x128xf32, #tpu.memory_space<vmem>>) offsets(%dma_start3A_20 : memref<128xi32, #tpu.memory_space<vmem>>) semaphore(%arg9 : memref<!tpu.dma_semaphore, #tpu.memory_space<semaphore_mem>>)
    %dma_start3A_24 = arith.constant 2 : i32
    %dma_start3A_25 = arith.constant 256 : i32
    %dma_start3A_26 = arith.constant 0 : i32
    %dma_start3A_27 = tpu.memref_slice %arg8[%dma_start3A_25, %dma_start3A_26] : memref<384x128xf32, #tpu.memory_space<vmem>> -> memref<128x128xf32, #tpu.memory_space<vmem>>
    %dma_start3A_28 = arith.constant 0 : i32
    %dma_start3A_29 = tpu.memref_slice %arg7[%dma_start3A_24, %dma_start3A_28] : memref<8x128xi32, #tpu.memory_space<vmem>> -> memref<1x128xi32, #tpu.memory_space<vmem>>
    %dma_start3A_30 = tpu.memref_squeeze %dma_start3A_29 : memref<1x128xi32, #tpu.memory_space<vmem>> -> memref<128xi32, #tpu.memory_space<vmem>>
    %dma_start3A_31 = arith.constant 0 : i32
    %dma_start3A_32 = arith.constant 0 : i32
    %dma_start3A_33 = tpu.memref_slice %arg2[%dma_start3A_31, %dma_start3A_32] : memref<307200x128xf32, #tpu.memory_space<hbm>> -> memref<307200x128xf32, #tpu.memory_space<hbm>>
    tpu.enqueue_indirect_dma source(%dma_start3A_33 : memref<307200x128xf32, #tpu.memory_space<hbm>>) target(%dma_start3A_27 : memref<128x128xf32, #tpu.memory_space<vmem>>) offsets(%dma_start3A_30 : memref<128xi32, #tpu.memory_space<vmem>>) semaphore(%arg9 : memref<!tpu.dma_semaphore, #tpu.memory_space<semaphore_mem>>)
    %dma_wait3A = arith.constant 0 : i32
    %dma_wait3A_34 = arith.constant 0 : i32
    %dma_wait3A_35 = arith.constant 0 : i32
    %dma_wait3A_36 = tpu.memref_slice %arg8[%dma_wait3A_34, %dma_wait3A_35] : memref<384x128xf32, #tpu.memory_space<vmem>> -> memref<128x128xf32, #tpu.memory_space<vmem>>
    %dma_wait3A_37 = arith.constant 0 : i32
    %dma_wait3A_38 = tpu.memref_slice %arg7[%dma_wait3A, %dma_wait3A_37] : memref<8x128xi32, #tpu.memory_space<vmem>> -> memref<1x128xi32, #tpu.memory_space<vmem>>
    %dma_wait3A_39 = tpu.memref_squeeze %dma_wait3A_38 : memref<1x128xi32, #tpu.memory_space<vmem>> -> memref<128xi32, #tpu.memory_space<vmem>>
    %dma_wait3A_40 = arith.constant 0 : i32
    %dma_wait3A_41 = arith.constant 0 : i32
    %dma_wait3A_42 = tpu.memref_slice %arg2[%dma_wait3A_40, %dma_wait3A_41] : memref<307200x128xf32, #tpu.memory_space<hbm>> -> memref<307200x128xf32, #tpu.memory_space<hbm>>
    tpu.wait_indirect_dma semaphore(%arg9 : memref<!tpu.dma_semaphore, #tpu.memory_space<semaphore_mem>>) src(%dma_wait3A_42 : memref<307200x128xf32, #tpu.memory_space<hbm>>) dst(%dma_wait3A_36 : memref<128x128xf32, #tpu.memory_space<vmem>>)
    %dma_wait3A_43 = arith.constant 1 : i32
    %dma_wait3A_44 = arith.constant 128 : i32
    %dma_wait3A_45 = arith.constant 0 : i32
    %dma_wait3A_46 = tpu.memref_slice %arg8[%dma_wait3A_44, %dma_wait3A_45] : memref<384x128xf32, #tpu.memory_space<vmem>> -> memref<128x128xf32, #tpu.memory_space<vmem>>
    %dma_wait3A_47 = arith.constant 0 : i32
    %dma_wait3A_48 = tpu.memref_slice %arg7[%dma_wait3A_43, %dma_wait3A_47] : memref<8x128xi32, #tpu.memory_space<vmem>> -> memref<1x128xi32, #tpu.memory_space<vmem>>
    %dma_wait3A_49 = tpu.memref_squeeze %dma_wait3A_48 : memref<1x128xi32, #tpu.memory_space<vmem>> -> memref<128xi32, #tpu.memory_space<vmem>>
    %dma_wait3A_50 = arith.constant 0 : i32
    %dma_wait3A_51 = arith.constant 0 : i32
    %dma_wait3A_52 = tpu.memref_slice %arg2[%dma_wait3A_50, %dma_wait3A_51] : memref<307200x128xf32, #tpu.memory_space<hbm>> -> memref<307200x128xf32, #tpu.memory_space<hbm>>
    tpu.wait_indirect_dma semaphore(%arg9 : memref<!tpu.dma_semaphore, #tpu.memory_space<semaphore_mem>>) src(%dma_wait3A_52 : memref<307200x128xf32, #tpu.memory_space<hbm>>) dst(%dma_wait3A_46 : memref<128x128xf32, #tpu.memory_space<vmem>>)
    %dma_wait3A_53 = arith.constant 2 : i32
    %dma_wait3A_54 = arith.constant 256 : i32
    %dma_wait3A_55 = arith.constant 0 : i32
    %dma_wait3A_56 = tpu.memref_slice %arg8[%dma_wait3A_54, %dma_wait3A_55] : memref<384x128xf32, #tpu.memory_space<vmem>> -> memref<128x128xf32, #tpu.memory_space<vmem>>
    %dma_wait3A_57 = arith.constant 0 : i32
    %dma_wait3A_58 = tpu.memref_slice %arg7[%dma_wait3A_53, %dma_wait3A_57] : memref<8x128xi32, #tpu.memory_space<vmem>> -> memref<1x128xi32, #tpu.memory_space<vmem>>
    %dma_wait3A_59 = tpu.memref_squeeze %dma_wait3A_58 : memref<1x128xi32, #tpu.memory_space<vmem>> -> memref<128xi32, #tpu.memory_space<vmem>>
    %dma_wait3A_60 = arith.constant 0 : i32
    %dma_wait3A_61 = arith.constant 0 : i32
    %dma_wait3A_62 = tpu.memref_slice %arg2[%dma_wait3A_60, %dma_wait3A_61] : memref<307200x128xf32, #tpu.memory_space<hbm>> -> memref<307200x128xf32, #tpu.memory_space<hbm>>
    tpu.wait_indirect_dma semaphore(%arg9 : memref<!tpu.dma_semaphore, #tpu.memory_space<semaphore_mem>>) src(%dma_wait3A_62 : memref<307200x128xf32, #tpu.memory_space<hbm>>) dst(%dma_wait3A_56 : memref<128x128xf32, #tpu.memory_space<vmem>>)
    %mul3A_63 = arith.constant 384 : i32
    %mul3A_64 = arith.muli %add3A, %mul3A_63 : i32
    %add3A_65 = arith.constant 0 : i32
    %add3A_66 = arith.addi %add3A_65, %mul3A_64 : i32
    "tpu.region"() ({
      %run_scoped3A = tpu.sem_alloc : memref<!tpu.dma_semaphore, #tpu.memory_space<semaphore_mem>>
      %dma_start3A_203 = arith.constant 0 : i32
      %dma_start3A_204 = tpu.memref_slice %arg6[%add3A_66, %dma_start3A_203] : memref<36864x128xf32, #tpu.memory_space<hbm>> -> memref<384x128xf32, #tpu.memory_space<hbm>>
      %dma_start3A_205 = arith.constant 0 : i32
      %dma_start3A_206 = tpu.memref_slice %arg6[%add3A_66, %dma_start3A_205] : memref<36864x128xf32, #tpu.memory_space<hbm>> -> memref<384x128xf32, #tpu.memory_space<hbm>>
      tpu.enqueue_dma source(%arg8 : memref<384x128xf32, #tpu.memory_space<vmem>>) target(%dma_start3A_206 : memref<384x128xf32, #tpu.memory_space<hbm>>) target_semaphore(%run_scoped3A : memref<!tpu.dma_semaphore, #tpu.memory_space<semaphore_mem>>)
      %dma_wait3A_207 = arith.constant 0 : i32
      %dma_wait3A_208 = tpu.memref_slice %arg6[%add3A_66, %dma_wait3A_207] : memref<36864x128xf32, #tpu.memory_space<hbm>> -> memref<384x128xf32, #tpu.memory_space<hbm>>
      %dma_wait3A_209 = arith.constant 0 : i32
      %dma_wait3A_210 = tpu.memref_slice %arg6[%add3A_66, %dma_wait3A_209] : memref<36864x128xf32, #tpu.memory_space<hbm>> -> memref<384x128xf32, #tpu.memory_space<hbm>>
      tpu.wait_dma2 semaphore(%run_scoped3A : memref<!tpu.dma_semaphore, #tpu.memory_space<semaphore_mem>>) src(%arg8 : memref<384x128xf32, #tpu.memory_space<vmem>>) dst(%dma_wait3A_210 : memref<384x128xf32, #tpu.memory_space<hbm>>)
      tpu.yield
    }) : () -> ()
    %mul3A_67 = arith.constant 8 : i32
    %mul3A_68 = arith.muli %add3A, %mul3A_67 : i32
    %add3A_69 = arith.constant 256 : i32
    %add3A_70 = arith.addi %add3A_69, %mul3A_68 : i32
    "tpu.region"() ({
      %run_scoped3A = tpu.sem_alloc : memref<!tpu.dma_semaphore, #tpu.memory_space<semaphore_mem>>
      %dma_start3A_203 = arith.constant 0 : i32
      %dma_start3A_204 = tpu.memref_slice %arg5[%add3A_70, %dma_start3A_203] : memref<768x128xi32, #tpu.memory_space<hbm>> -> memref<8x128xi32, #tpu.memory_space<hbm>>
      %dma_start3A_205 = arith.constant 0 : i32
      %dma_start3A_206 = tpu.memref_slice %arg5[%add3A_70, %dma_start3A_205] : memref<768x128xi32, #tpu.memory_space<hbm>> -> memref<8x128xi32, #tpu.memory_space<hbm>>
      tpu.enqueue_dma source(%dma_start3A_206 : memref<8x128xi32, #tpu.memory_space<hbm>>) target(%arg7 : memref<8x128xi32, #tpu.memory_space<vmem>>) target_semaphore(%run_scoped3A : memref<!tpu.dma_semaphore, #tpu.memory_space<semaphore_mem>>)
      %dma_wait3A_207 = arith.constant 0 : i32
      %dma_wait3A_208 = tpu.memref_slice %arg5[%add3A_70, %dma_wait3A_207] : memref<768x128xi32, #tpu.memory_space<hbm>> -> memref<8x128xi32, #tpu.memory_space<hbm>>
      %dma_wait3A_209 = arith.constant 0 : i32
      %dma_wait3A_210 = tpu.memref_slice %arg5[%add3A_70, %dma_wait3A_209] : memref<768x128xi32, #tpu.memory_space<hbm>> -> memref<8x128xi32, #tpu.memory_space<hbm>>
      tpu.wait_dma2 semaphore(%run_scoped3A : memref<!tpu.dma_semaphore, #tpu.memory_space<semaphore_mem>>) src(%dma_wait3A_210 : memref<8x128xi32, #tpu.memory_space<hbm>>) dst(%arg7 : memref<8x128xi32, #tpu.memory_space<vmem>>)
      tpu.yield
    }) : () -> ()
    %dma_start3A_71 = arith.constant 0 : i32
    %dma_start3A_72 = arith.constant 0 : i32
    %dma_start3A_73 = arith.constant 0 : i32
    %dma_start3A_74 = tpu.memref_slice %arg8[%dma_start3A_72, %dma_start3A_73] : memref<384x128xf32, #tpu.memory_space<vmem>> -> memref<128x128xf32, #tpu.memory_space<vmem>>
    %dma_start3A_75 = arith.constant 0 : i32
    %dma_start3A_76 = tpu.memref_slice %arg7[%dma_start3A_71, %dma_start3A_75] : memref<8x128xi32, #tpu.memory_space<vmem>> -> memref<1x128xi32, #tpu.memory_space<vmem>>
    %dma_start3A_77 = tpu.memref_squeeze %dma_start3A_76 : memref<1x128xi32, #tpu.memory_space<vmem>> -> memref<128xi32, #tpu.memory_space<vmem>>
    %dma_start3A_78 = arith.constant 0 : i32
    %dma_start3A_79 = arith.constant 0 : i32
    %dma_start3A_80 = tpu.memref_slice %arg3[%dma_start3A_78, %dma_start3A_79] : memref<76800x128xf32, #tpu.memory_space<hbm>> -> memref<76800x128xf32, #tpu.memory_space<hbm>>
    tpu.enqueue_indirect_dma source(%dma_start3A_80 : memref<76800x128xf32, #tpu.memory_space<hbm>>) target(%dma_start3A_74 : memref<128x128xf32, #tpu.memory_space<vmem>>) offsets(%dma_start3A_77 : memref<128xi32, #tpu.memory_space<vmem>>) semaphore(%arg9 : memref<!tpu.dma_semaphore, #tpu.memory_space<semaphore_mem>>)
    %dma_start3A_81 = arith.constant 1 : i32
    %dma_start3A_82 = arith.constant 128 : i32
    %dma_start3A_83 = arith.constant 0 : i32
    %dma_start3A_84 = tpu.memref_slice %arg8[%dma_start3A_82, %dma_start3A_83] : memref<384x128xf32, #tpu.memory_space<vmem>> -> memref<128x128xf32, #tpu.memory_space<vmem>>
    %dma_start3A_85 = arith.constant 0 : i32
    %dma_start3A_86 = tpu.memref_slice %arg7[%dma_start3A_81, %dma_start3A_85] : memref<8x128xi32, #tpu.memory_space<vmem>> -> memref<1x128xi32, #tpu.memory_space<vmem>>
    %dma_start3A_87 = tpu.memref_squeeze %dma_start3A_86 : memref<1x128xi32, #tpu.memory_space<vmem>> -> memref<128xi32, #tpu.memory_space<vmem>>
    %dma_start3A_88 = arith.constant 0 : i32
    %dma_start3A_89 = arith.constant 0 : i32
    %dma_start3A_90 = tpu.memref_slice %arg3[%dma_start3A_88, %dma_start3A_89] : memref<76800x128xf32, #tpu.memory_space<hbm>> -> memref<76800x128xf32, #tpu.memory_space<hbm>>
    tpu.enqueue_indirect_dma source(%dma_start3A_90 : memref<76800x128xf32, #tpu.memory_space<hbm>>) target(%dma_start3A_84 : memref<128x128xf32, #tpu.memory_space<vmem>>) offsets(%dma_start3A_87 : memref<128xi32, #tpu.memory_space<vmem>>) semaphore(%arg9 : memref<!tpu.dma_semaphore, #tpu.memory_space<semaphore_mem>>)
    %dma_start3A_91 = arith.constant 2 : i32
    %dma_start3A_92 = arith.constant 256 : i32
    %dma_start3A_93 = arith.constant 0 : i32
    %dma_start3A_94 = tpu.memref_slice %arg8[%dma_start3A_92, %dma_start3A_93] : memref<384x128xf32, #tpu.memory_space<vmem>> -> memref<128x128xf32, #tpu.memory_space<vmem>>
    %dma_start3A_95 = arith.constant 0 : i32
    %dma_start3A_96 = tpu.memref_slice %arg7[%dma_start3A_91, %dma_start3A_95] : memref<8x128xi32, #tpu.memory_space<vmem>> -> memref<1x128xi32, #tpu.memory_space<vmem>>
    %dma_start3A_97 = tpu.memref_squeeze %dma_start3A_96 : memref<1x128xi32, #tpu.memory_space<vmem>> -> memref<128xi32, #tpu.memory_space<vmem>>
    %dma_start3A_98 = arith.constant 0 : i32
    %dma_start3A_99 = arith.constant 0 : i32
    %dma_start3A_100 = tpu.memref_slice %arg3[%dma_start3A_98, %dma_start3A_99] : memref<76800x128xf32, #tpu.memory_space<hbm>> -> memref<76800x128xf32, #tpu.memory_space<hbm>>
    tpu.enqueue_indirect_dma source(%dma_start3A_100 : memref<76800x128xf32, #tpu.memory_space<hbm>>) target(%dma_start3A_94 : memref<128x128xf32, #tpu.memory_space<vmem>>) offsets(%dma_start3A_97 : memref<128xi32, #tpu.memory_space<vmem>>) semaphore(%arg9 : memref<!tpu.dma_semaphore, #tpu.memory_space<semaphore_mem>>)
    %dma_wait3A_101 = arith.constant 0 : i32
    %dma_wait3A_102 = arith.constant 0 : i32
    %dma_wait3A_103 = arith.constant 0 : i32
    %dma_wait3A_104 = tpu.memref_slice %arg8[%dma_wait3A_102, %dma_wait3A_103] : memref<384x128xf32, #tpu.memory_space<vmem>> -> memref<128x128xf32, #tpu.memory_space<vmem>>
    %dma_wait3A_105 = arith.constant 0 : i32
    %dma_wait3A_106 = tpu.memref_slice %arg7[%dma_wait3A_101, %dma_wait3A_105] : memref<8x128xi32, #tpu.memory_space<vmem>> -> memref<1x128xi32, #tpu.memory_space<vmem>>
    %dma_wait3A_107 = tpu.memref_squeeze %dma_wait3A_106 : memref<1x128xi32, #tpu.memory_space<vmem>> -> memref<128xi32, #tpu.memory_space<vmem>>
    %dma_wait3A_108 = arith.constant 0 : i32
    %dma_wait3A_109 = arith.constant 0 : i32
    %dma_wait3A_110 = tpu.memref_slice %arg3[%dma_wait3A_108, %dma_wait3A_109] : memref<76800x128xf32, #tpu.memory_space<hbm>> -> memref<76800x128xf32, #tpu.memory_space<hbm>>
    tpu.wait_indirect_dma semaphore(%arg9 : memref<!tpu.dma_semaphore, #tpu.memory_space<semaphore_mem>>) src(%dma_wait3A_110 : memref<76800x128xf32, #tpu.memory_space<hbm>>) dst(%dma_wait3A_104 : memref<128x128xf32, #tpu.memory_space<vmem>>)
    %dma_wait3A_111 = arith.constant 1 : i32
    %dma_wait3A_112 = arith.constant 128 : i32
    %dma_wait3A_113 = arith.constant 0 : i32
    %dma_wait3A_114 = tpu.memref_slice %arg8[%dma_wait3A_112, %dma_wait3A_113] : memref<384x128xf32, #tpu.memory_space<vmem>> -> memref<128x128xf32, #tpu.memory_space<vmem>>
    %dma_wait3A_115 = arith.constant 0 : i32
    %dma_wait3A_116 = tpu.memref_slice %arg7[%dma_wait3A_111, %dma_wait3A_115] : memref<8x128xi32, #tpu.memory_space<vmem>> -> memref<1x128xi32, #tpu.memory_space<vmem>>
    %dma_wait3A_117 = tpu.memref_squeeze %dma_wait3A_116 : memref<1x128xi32, #tpu.memory_space<vmem>> -> memref<128xi32, #tpu.memory_space<vmem>>
    %dma_wait3A_118 = arith.constant 0 : i32
    %dma_wait3A_119 = arith.constant 0 : i32
    %dma_wait3A_120 = tpu.memref_slice %arg3[%dma_wait3A_118, %dma_wait3A_119] : memref<76800x128xf32, #tpu.memory_space<hbm>> -> memref<76800x128xf32, #tpu.memory_space<hbm>>
    tpu.wait_indirect_dma semaphore(%arg9 : memref<!tpu.dma_semaphore, #tpu.memory_space<semaphore_mem>>) src(%dma_wait3A_120 : memref<76800x128xf32, #tpu.memory_space<hbm>>) dst(%dma_wait3A_114 : memref<128x128xf32, #tpu.memory_space<vmem>>)
    %dma_wait3A_121 = arith.constant 2 : i32
    %dma_wait3A_122 = arith.constant 256 : i32
    %dma_wait3A_123 = arith.constant 0 : i32
    %dma_wait3A_124 = tpu.memref_slice %arg8[%dma_wait3A_122, %dma_wait3A_123] : memref<384x128xf32, #tpu.memory_space<vmem>> -> memref<128x128xf32, #tpu.memory_space<vmem>>
    %dma_wait3A_125 = arith.constant 0 : i32
    %dma_wait3A_126 = tpu.memref_slice %arg7[%dma_wait3A_121, %dma_wait3A_125] : memref<8x128xi32, #tpu.memory_space<vmem>> -> memref<1x128xi32, #tpu.memory_space<vmem>>
    %dma_wait3A_127 = tpu.memref_squeeze %dma_wait3A_126 : memref<1x128xi32, #tpu.memory_space<vmem>> -> memref<128xi32, #tpu.memory_space<vmem>>
    %dma_wait3A_128 = arith.constant 0 : i32
    %dma_wait3A_129 = arith.constant 0 : i32
    %dma_wait3A_130 = tpu.memref_slice %arg3[%dma_wait3A_128, %dma_wait3A_129] : memref<76800x128xf32, #tpu.memory_space<hbm>> -> memref<76800x128xf32, #tpu.memory_space<hbm>>
    tpu.wait_indirect_dma semaphore(%arg9 : memref<!tpu.dma_semaphore, #tpu.memory_space<semaphore_mem>>) src(%dma_wait3A_130 : memref<76800x128xf32, #tpu.memory_space<hbm>>) dst(%dma_wait3A_124 : memref<128x128xf32, #tpu.memory_space<vmem>>)
    %mul3A_131 = arith.constant 384 : i32
    %mul3A_132 = arith.muli %add3A, %mul3A_131 : i32
    %add3A_133 = arith.constant 12288 : i32
    %add3A_134 = arith.addi %add3A_133, %mul3A_132 : i32
    "tpu.region"() ({
      %run_scoped3A = tpu.sem_alloc : memref<!tpu.dma_semaphore, #tpu.memory_space<semaphore_mem>>
      %dma_start3A_203 = arith.constant 0 : i32
      %dma_start3A_204 = tpu.memref_slice %arg6[%add3A_134, %dma_start3A_203] : memref<36864x128xf32, #tpu.memory_space<hbm>> -> memref<384x128xf32, #tpu.memory_space<hbm>>
      %dma_start3A_205 = arith.constant 0 : i32
      %dma_start3A_206 = tpu.memref_slice %arg6[%add3A_134, %dma_start3A_205] : memref<36864x128xf32, #tpu.memory_space<hbm>> -> memref<384x128xf32, #tpu.memory_space<hbm>>
      tpu.enqueue_dma source(%arg8 : memref<384x128xf32, #tpu.memory_space<vmem>>) target(%dma_start3A_206 : memref<384x128xf32, #tpu.memory_space<hbm>>) target_semaphore(%run_scoped3A : memref<!tpu.dma_semaphore, #tpu.memory_space<semaphore_mem>>)
      %dma_wait3A_207 = arith.constant 0 : i32
      %dma_wait3A_208 = tpu.memref_slice %arg6[%add3A_134, %dma_wait3A_207] : memref<36864x128xf32, #tpu.memory_space<hbm>> -> memref<384x128xf32, #tpu.memory_space<hbm>>
      %dma_wait3A_209 = arith.constant 0 : i32
      %dma_wait3A_210 = tpu.memref_slice %arg6[%add3A_134, %dma_wait3A_209] : memref<36864x128xf32, #tpu.memory_space<hbm>> -> memref<384x128xf32, #tpu.memory_space<hbm>>
      tpu.wait_dma2 semaphore(%run_scoped3A : memref<!tpu.dma_semaphore, #tpu.memory_space<semaphore_mem>>) src(%arg8 : memref<384x128xf32, #tpu.memory_space<vmem>>) dst(%dma_wait3A_210 : memref<384x128xf32, #tpu.memory_space<hbm>>)
      tpu.yield
    }) : () -> ()
    %mul3A_135 = arith.constant 8 : i32
    %mul3A_136 = arith.muli %add3A, %mul3A_135 : i32
    %add3A_137 = arith.constant 512 : i32
    %add3A_138 = arith.addi %add3A_137, %mul3A_136 : i32
    "tpu.region"() ({
      %run_scoped3A = tpu.sem_alloc : memref<!tpu.dma_semaphore, #tpu.memory_space<semaphore_mem>>
      %dma_start3A_203 = arith.constant 0 : i32
      %dma_start3A_204 = tpu.memref_slice %arg5[%add3A_138, %dma_start3A_203] : memref<768x128xi32, #tpu.memory_space<hbm>> -> memref<8x128xi32, #tpu.memory_space<hbm>>
      %dma_start3A_205 = arith.constant 0 : i32
      %dma_start3A_206 = tpu.memref_slice %arg5[%add3A_138, %dma_start3A_205] : memref<768x128xi32, #tpu.memory_space<hbm>> -> memref<8x128xi32, #tpu.memory_space<hbm>>
      tpu.enqueue_dma source(%dma_start3A_206 : memref<8x128xi32, #tpu.memory_space<hbm>>) target(%arg7 : memref<8x128xi32, #tpu.memory_space<vmem>>) target_semaphore(%run_scoped3A : memref<!tpu.dma_semaphore, #tpu.memory_space<semaphore_mem>>)
      %dma_wait3A_207 = arith.constant 0 : i32
      %dma_wait3A_208 = tpu.memref_slice %arg5[%add3A_138, %dma_wait3A_207] : memref<768x128xi32, #tpu.memory_space<hbm>> -> memref<8x128xi32, #tpu.memory_space<hbm>>
      %dma_wait3A_209 = arith.constant 0 : i32
      %dma_wait3A_210 = tpu.memref_slice %arg5[%add3A_138, %dma_wait3A_209] : memref<768x128xi32, #tpu.memory_space<hbm>> -> memref<8x128xi32, #tpu.memory_space<hbm>>
      tpu.wait_dma2 semaphore(%run_scoped3A : memref<!tpu.dma_semaphore, #tpu.memory_space<semaphore_mem>>) src(%dma_wait3A_210 : memref<8x128xi32, #tpu.memory_space<hbm>>) dst(%arg7 : memref<8x128xi32, #tpu.memory_space<vmem>>)
      tpu.yield
    }) : () -> ()
    %dma_start3A_139 = arith.constant 0 : i32
    %dma_start3A_140 = arith.constant 0 : i32
    %dma_start3A_141 = arith.constant 0 : i32
    %dma_start3A_142 = tpu.memref_slice %arg8[%dma_start3A_140, %dma_start3A_141] : memref<384x128xf32, #tpu.memory_space<vmem>> -> memref<128x128xf32, #tpu.memory_space<vmem>>
    %dma_start3A_143 = arith.constant 0 : i32
    %dma_start3A_144 = tpu.memref_slice %arg7[%dma_start3A_139, %dma_start3A_143] : memref<8x128xi32, #tpu.memory_space<vmem>> -> memref<1x128xi32, #tpu.memory_space<vmem>>
    %dma_start3A_145 = tpu.memref_squeeze %dma_start3A_144 : memref<1x128xi32, #tpu.memory_space<vmem>> -> memref<128xi32, #tpu.memory_space<vmem>>
    %dma_start3A_146 = arith.constant 0 : i32
    %dma_start3A_147 = arith.constant 0 : i32
    %dma_start3A_148 = tpu.memref_slice %arg4[%dma_start3A_146, %dma_start3A_147] : memref<19200x128xf32, #tpu.memory_space<hbm>> -> memref<19200x128xf32, #tpu.memory_space<hbm>>
    tpu.enqueue_indirect_dma source(%dma_start3A_148 : memref<19200x128xf32, #tpu.memory_space<hbm>>) target(%dma_start3A_142 : memref<128x128xf32, #tpu.memory_space<vmem>>) offsets(%dma_start3A_145 : memref<128xi32, #tpu.memory_space<vmem>>) semaphore(%arg9 : memref<!tpu.dma_semaphore, #tpu.memory_space<semaphore_mem>>)
    %dma_start3A_149 = arith.constant 1 : i32
    %dma_start3A_150 = arith.constant 128 : i32
    %dma_start3A_151 = arith.constant 0 : i32
    %dma_start3A_152 = tpu.memref_slice %arg8[%dma_start3A_150, %dma_start3A_151] : memref<384x128xf32, #tpu.memory_space<vmem>> -> memref<128x128xf32, #tpu.memory_space<vmem>>
    %dma_start3A_153 = arith.constant 0 : i32
    %dma_start3A_154 = tpu.memref_slice %arg7[%dma_start3A_149, %dma_start3A_153] : memref<8x128xi32, #tpu.memory_space<vmem>> -> memref<1x128xi32, #tpu.memory_space<vmem>>
    %dma_start3A_155 = tpu.memref_squeeze %dma_start3A_154 : memref<1x128xi32, #tpu.memory_space<vmem>> -> memref<128xi32, #tpu.memory_space<vmem>>
    %dma_start3A_156 = arith.constant 0 : i32
    %dma_start3A_157 = arith.constant 0 : i32
    %dma_start3A_158 = tpu.memref_slice %arg4[%dma_start3A_156, %dma_start3A_157] : memref<19200x128xf32, #tpu.memory_space<hbm>> -> memref<19200x128xf32, #tpu.memory_space<hbm>>
    tpu.enqueue_indirect_dma source(%dma_start3A_158 : memref<19200x128xf32, #tpu.memory_space<hbm>>) target(%dma_start3A_152 : memref<128x128xf32, #tpu.memory_space<vmem>>) offsets(%dma_start3A_155 : memref<128xi32, #tpu.memory_space<vmem>>) semaphore(%arg9 : memref<!tpu.dma_semaphore, #tpu.memory_space<semaphore_mem>>)
    %dma_start3A_159 = arith.constant 2 : i32
    %dma_start3A_160 = arith.constant 256 : i32
    %dma_start3A_161 = arith.constant 0 : i32
    %dma_start3A_162 = tpu.memref_slice %arg8[%dma_start3A_160, %dma_start3A_161] : memref<384x128xf32, #tpu.memory_space<vmem>> -> memref<128x128xf32, #tpu.memory_space<vmem>>
    %dma_start3A_163 = arith.constant 0 : i32
    %dma_start3A_164 = tpu.memref_slice %arg7[%dma_start3A_159, %dma_start3A_163] : memref<8x128xi32, #tpu.memory_space<vmem>> -> memref<1x128xi32, #tpu.memory_space<vmem>>
    %dma_start3A_165 = tpu.memref_squeeze %dma_start3A_164 : memref<1x128xi32, #tpu.memory_space<vmem>> -> memref<128xi32, #tpu.memory_space<vmem>>
    %dma_start3A_166 = arith.constant 0 : i32
    %dma_start3A_167 = arith.constant 0 : i32
    %dma_start3A_168 = tpu.memref_slice %arg4[%dma_start3A_166, %dma_start3A_167] : memref<19200x128xf32, #tpu.memory_space<hbm>> -> memref<19200x128xf32, #tpu.memory_space<hbm>>
    tpu.enqueue_indirect_dma source(%dma_start3A_168 : memref<19200x128xf32, #tpu.memory_space<hbm>>) target(%dma_start3A_162 : memref<128x128xf32, #tpu.memory_space<vmem>>) offsets(%dma_start3A_165 : memref<128xi32, #tpu.memory_space<vmem>>) semaphore(%arg9 : memref<!tpu.dma_semaphore, #tpu.memory_space<semaphore_mem>>)
    %dma_wait3A_169 = arith.constant 0 : i32
    %dma_wait3A_170 = arith.constant 0 : i32
    %dma_wait3A_171 = arith.constant 0 : i32
    %dma_wait3A_172 = tpu.memref_slice %arg8[%dma_wait3A_170, %dma_wait3A_171] : memref<384x128xf32, #tpu.memory_space<vmem>> -> memref<128x128xf32, #tpu.memory_space<vmem>>
    %dma_wait3A_173 = arith.constant 0 : i32
    %dma_wait3A_174 = tpu.memref_slice %arg7[%dma_wait3A_169, %dma_wait3A_173] : memref<8x128xi32, #tpu.memory_space<vmem>> -> memref<1x128xi32, #tpu.memory_space<vmem>>
    %dma_wait3A_175 = tpu.memref_squeeze %dma_wait3A_174 : memref<1x128xi32, #tpu.memory_space<vmem>> -> memref<128xi32, #tpu.memory_space<vmem>>
    %dma_wait3A_176 = arith.constant 0 : i32
    %dma_wait3A_177 = arith.constant 0 : i32
    %dma_wait3A_178 = tpu.memref_slice %arg4[%dma_wait3A_176, %dma_wait3A_177] : memref<19200x128xf32, #tpu.memory_space<hbm>> -> memref<19200x128xf32, #tpu.memory_space<hbm>>
    tpu.wait_indirect_dma semaphore(%arg9 : memref<!tpu.dma_semaphore, #tpu.memory_space<semaphore_mem>>) src(%dma_wait3A_178 : memref<19200x128xf32, #tpu.memory_space<hbm>>) dst(%dma_wait3A_172 : memref<128x128xf32, #tpu.memory_space<vmem>>)
    %dma_wait3A_179 = arith.constant 1 : i32
    %dma_wait3A_180 = arith.constant 128 : i32
    %dma_wait3A_181 = arith.constant 0 : i32
    %dma_wait3A_182 = tpu.memref_slice %arg8[%dma_wait3A_180, %dma_wait3A_181] : memref<384x128xf32, #tpu.memory_space<vmem>> -> memref<128x128xf32, #tpu.memory_space<vmem>>
    %dma_wait3A_183 = arith.constant 0 : i32
    %dma_wait3A_184 = tpu.memref_slice %arg7[%dma_wait3A_179, %dma_wait3A_183] : memref<8x128xi32, #tpu.memory_space<vmem>> -> memref<1x128xi32, #tpu.memory_space<vmem>>
    %dma_wait3A_185 = tpu.memref_squeeze %dma_wait3A_184 : memref<1x128xi32, #tpu.memory_space<vmem>> -> memref<128xi32, #tpu.memory_space<vmem>>
    %dma_wait3A_186 = arith.constant 0 : i32
    %dma_wait3A_187 = arith.constant 0 : i32
    %dma_wait3A_188 = tpu.memref_slice %arg4[%dma_wait3A_186, %dma_wait3A_187] : memref<19200x128xf32, #tpu.memory_space<hbm>> -> memref<19200x128xf32, #tpu.memory_space<hbm>>
    tpu.wait_indirect_dma semaphore(%arg9 : memref<!tpu.dma_semaphore, #tpu.memory_space<semaphore_mem>>) src(%dma_wait3A_188 : memref<19200x128xf32, #tpu.memory_space<hbm>>) dst(%dma_wait3A_182 : memref<128x128xf32, #tpu.memory_space<vmem>>)
    %dma_wait3A_189 = arith.constant 2 : i32
    %dma_wait3A_190 = arith.constant 256 : i32
    %dma_wait3A_191 = arith.constant 0 : i32
    %dma_wait3A_192 = tpu.memref_slice %arg8[%dma_wait3A_190, %dma_wait3A_191] : memref<384x128xf32, #tpu.memory_space<vmem>> -> memref<128x128xf32, #tpu.memory_space<vmem>>
    %dma_wait3A_193 = arith.constant 0 : i32
    %dma_wait3A_194 = tpu.memref_slice %arg7[%dma_wait3A_189, %dma_wait3A_193] : memref<8x128xi32, #tpu.memory_space<vmem>> -> memref<1x128xi32, #tpu.memory_space<vmem>>
    %dma_wait3A_195 = tpu.memref_squeeze %dma_wait3A_194 : memref<1x128xi32, #tpu.memory_space<vmem>> -> memref<128xi32, #tpu.memory_space<vmem>>
    %dma_wait3A_196 = arith.constant 0 : i32
    %dma_wait3A_197 = arith.constant 0 : i32
    %dma_wait3A_198 = tpu.memref_slice %arg4[%dma_wait3A_196, %dma_wait3A_197] : memref<19200x128xf32, #tpu.memory_space<hbm>> -> memref<19200x128xf32, #tpu.memory_space<hbm>>
    tpu.wait_indirect_dma semaphore(%arg9 : memref<!tpu.dma_semaphore, #tpu.memory_space<semaphore_mem>>) src(%dma_wait3A_198 : memref<19200x128xf32, #tpu.memory_space<hbm>>) dst(%dma_wait3A_192 : memref<128x128xf32, #tpu.memory_space<vmem>>)
    %mul3A_199 = arith.constant 384 : i32
    %mul3A_200 = arith.muli %add3A, %mul3A_199 : i32
    %add3A_201 = arith.constant 24576 : i32
    %add3A_202 = arith.addi %add3A_201, %mul3A_200 : i32
    "tpu.region"() ({
      %run_scoped3A = tpu.sem_alloc : memref<!tpu.dma_semaphore, #tpu.memory_space<semaphore_mem>>
      %dma_start3A_203 = arith.constant 0 : i32
      %dma_start3A_204 = tpu.memref_slice %arg6[%add3A_202, %dma_start3A_203] : memref<36864x128xf32, #tpu.memory_space<hbm>> -> memref<384x128xf32, #tpu.memory_space<hbm>>
      %dma_start3A_205 = arith.constant 0 : i32
      %dma_start3A_206 = tpu.memref_slice %arg6[%add3A_202, %dma_start3A_205] : memref<36864x128xf32, #tpu.memory_space<hbm>> -> memref<384x128xf32, #tpu.memory_space<hbm>>
      tpu.enqueue_dma source(%arg8 : memref<384x128xf32, #tpu.memory_space<vmem>>) target(%dma_start3A_206 : memref<384x128xf32, #tpu.memory_space<hbm>>) target_semaphore(%run_scoped3A : memref<!tpu.dma_semaphore, #tpu.memory_space<semaphore_mem>>)
      %dma_wait3A_207 = arith.constant 0 : i32
      %dma_wait3A_208 = tpu.memref_slice %arg6[%add3A_202, %dma_wait3A_207] : memref<36864x128xf32, #tpu.memory_space<hbm>> -> memref<384x128xf32, #tpu.memory_space<hbm>>
      %dma_wait3A_209 = arith.constant 0 : i32
      %dma_wait3A_210 = tpu.memref_slice %arg6[%add3A_202, %dma_wait3A_209] : memref<36864x128xf32, #tpu.memory_space<hbm>> -> memref<384x128xf32, #tpu.memory_space<hbm>>
      tpu.wait_dma2 semaphore(%run_scoped3A : memref<!tpu.dma_semaphore, #tpu.memory_space<semaphore_mem>>) src(%arg8 : memref<384x128xf32, #tpu.memory_space<vmem>>) dst(%dma_wait3A_210 : memref<384x128xf32, #tpu.memory_space<hbm>>)
      tpu.yield
    }) : () -> ()
    return
  }
}

module attributes {stable_mosaic.version = 14 : i64} {
  func.func @_dense_body(%arg0: i32, %arg1: memref<4096x85xf32, #tpu.memory_space<vmem>>, %arg2: memref<4096x128xf32, #tpu.memory_space<vmem>>, %arg3: memref<1x1xf32, #tpu.memory_space<vmem>>) attributes {dimension_semantics = [#tpu.dimension_semantics<arbitrary>], iteration_bounds = array<i64: 75>, scalar_prefetch = 0 : i64, scratch_operands = 0 : i64, tpu.core_type = #tpu.core_type<tc>, window_params = [{transform_indices = @transform_0, window_bounds = array<i64: 4096, 85>}, {transform_indices = @transform_1, window_bounds = array<i64: 4096, 128>}, {pipeline_mode = #tpu.pipeline_mode<synchronous>, transform_indices = @transform_2, window_bounds = array<i64: 1, 1>}]} {
    %eq3A = arith.constant 0 : i32
    %eq3A_0 = arith.cmpi eq, %arg0, %eq3A : i32
    %convert_element_type3A = arith.extui %eq3A_0 : i1 to i32
    %cond3A = arith.constant 0 : i32
    %cond3A_1 = arith.cmpi ne, %convert_element_type3A, %cond3A : i32
    scf.if %cond3A_1 {
      %broadcast_in_dim3A_23 = arith.constant 0.000000e+00 : f32
      %broadcast_in_dim3A_24 = vector.broadcast %broadcast_in_dim3A_23 : f32 to vector<1x1xf32>
      %swap3A_25 = arith.constant 0 : index
      %swap3A_26 = arith.constant 0 : index
      %swap3A_27 = vector.load %arg3[%swap3A_25, %swap3A_26] : memref<1x1xf32, #tpu.memory_space<vmem>>, vector<1x1xf32>
      tpu.vector_store %arg3[%swap3A_25, %swap3A_26], %broadcast_in_dim3A_24 {strides = array<i32>} : memref<1x1xf32, #tpu.memory_space<vmem>>, vector<1x1xf32>,
    } else {
    }
    %get3A = arith.constant 0 : index
    %get3A_2 = arith.constant 0 : index
    %get3A_3 = vector.load %arg1[%get3A, %get3A_2] : memref<4096x85xf32, #tpu.memory_space<vmem>>, vector<4096x85xf32>
    %broadcast_in_dim3A = arith.constant 0.000000e+00 : f32
    %broadcast_in_dim3A_4 = vector.broadcast %broadcast_in_dim3A : f32 to vector<4096x43xf32>
    %concatenate3A = tpu.concatenate %get3A_3, %broadcast_in_dim3A_4 in 1 : vector<4096x85xf32>, vector<4096x43xf32> -> vector<4096x128xf32>
    %swap3A = arith.constant 0 : index
    %swap3A_5 = arith.constant 0 : index
    %swap3A_6 = vector.load %arg2[%swap3A, %swap3A_5] : memref<4096x128xf32, #tpu.memory_space<vmem>>, vector<4096x128xf32>
    tpu.vector_store %arg2[%swap3A, %swap3A_5], %concatenate3A {strides = array<i32>} : memref<4096x128xf32, #tpu.memory_space<vmem>>, vector<4096x128xf32>,
    %get3A_7 = arith.constant 0 : index
    %get3A_8 = arith.constant 0 : index
    %get3A_9 = vector.load %arg3[%get3A_7, %get3A_8] : memref<1x1xf32, #tpu.memory_space<vmem>>, vector<1x1xf32>
    %slice3A = vector.extract_strided_slice %get3A_3 {offsets = [0, 4], sizes = [4096, 1], strides = [1, 1]} : vector<4096x85xf32> to vector<4096x1xf32>
    %max3A = arith.constant 0.000000e+00 : f32
    %max3A_10 = vector.broadcast %max3A : f32 to vector<4096x1xf32>
    %max3A_11 = arith.maximumf %slice3A, %max3A_10 : vector<4096x1xf32>
    %abs3A = math.absf %slice3A : vector<4096x1xf32>
    %neg3A = arith.constant 0.000000e+00 : f32
    %neg3A_12 = vector.broadcast %neg3A : f32 to vector<4096x1xf32>
    %neg3A_13 = arith.subf %neg3A_12, %abs3A : vector<4096x1xf32>
    %exp3A = math.exp %neg3A_13 : vector<4096x1xf32>
    %add3A = arith.constant 1.000000e+00 : f32
    %add3A_14 = vector.broadcast %add3A : f32 to vector<4096x1xf32>
    %add3A_15 = arith.addf %add3A_14, %exp3A : vector<4096x1xf32>
    %log3A = math.log %add3A_15 : vector<4096x1xf32>
    %add3A_16 = arith.addf %max3A_11, %log3A : vector<4096x1xf32>
    %reduce_sum3A = arith.constant dense<0.000000e+00> : vector<1xf32>
    %reduce_sum3A_17 = vector.multi_reduction <add>, %add3A_16, %reduce_sum3A [0] : vector<4096x1xf32> to vector<1xf32>
    %broadcast_in_dim3A_18 = vector.shape_cast %reduce_sum3A_17 : vector<1xf32> to vector<1x1xf32>
    %add3A_19 = arith.addf %get3A_9, %broadcast_in_dim3A_18 : vector<1x1xf32>
    %swap3A_20 = arith.constant 0 : index
    %swap3A_21 = arith.constant 0 : index
    %swap3A_22 = vector.load %arg3[%swap3A_20, %swap3A_21] : memref<1x1xf32, #tpu.memory_space<vmem>>, vector<1x1xf32>
    tpu.vector_store %arg3[%swap3A_20, %swap3A_21], %add3A_19 {strides = array<i32>} : memref<1x1xf32, #tpu.memory_space<vmem>>, vector<1x1xf32>,
    return
  }
  func.func @transform_0(%arg0: i32) -> (i32, i32) {
    %c0_i32 = arith.constant 0 : i32
    %c0_i32_0 = arith.constant 0 : i32
    return %arg0, %c0_i32 : i32, i32
  }
  func.func @transform_1(%arg0: i32) -> (i32, i32) {
    %c0_i32 = arith.constant 0 : i32
    %c0_i32_0 = arith.constant 0 : i32
    return %arg0, %c0_i32 : i32, i32
  }
  func.func @transform_2(%arg0: i32) -> (i32, i32) {
    %c0_i32 = arith.constant 0 : i32
    %c0_i32_0 = arith.constant 0 : i32
    %c0_i32_1 = arith.constant 0 : i32
    return %c0_i32, %c0_i32_0 : i32, i32
  }
}

module attributes {stable_mosaic.version = 14 : i64} {
  func.func @_dense_body(%arg0: i32, %arg1: memref<3840x85xf32, #tpu.memory_space<vmem>>, %arg2: memref<3840x128xf32, #tpu.memory_space<vmem>>, %arg3: memref<1x1xf32, #tpu.memory_space<vmem>>) attributes {dimension_semantics = [#tpu.dimension_semantics<arbitrary>], iteration_bounds = array<i64: 20>, scalar_prefetch = 0 : i64, scratch_operands = 0 : i64, tpu.core_type = #tpu.core_type<tc>, window_params = [{transform_indices = @transform_0, window_bounds = array<i64: 3840, 85>}, {transform_indices = @transform_1, window_bounds = array<i64: 3840, 128>}, {pipeline_mode = #tpu.pipeline_mode<synchronous>, transform_indices = @transform_2, window_bounds = array<i64: 1, 1>}]} {
    %eq3A = arith.constant 0 : i32
    %eq3A_0 = arith.cmpi eq, %arg0, %eq3A : i32
    %convert_element_type3A = arith.extui %eq3A_0 : i1 to i32
    %cond3A = arith.constant 0 : i32
    %cond3A_1 = arith.cmpi ne, %convert_element_type3A, %cond3A : i32
    scf.if %cond3A_1 {
      %broadcast_in_dim3A_23 = arith.constant 0.000000e+00 : f32
      %broadcast_in_dim3A_24 = vector.broadcast %broadcast_in_dim3A_23 : f32 to vector<1x1xf32>
      %swap3A_25 = arith.constant 0 : index
      %swap3A_26 = arith.constant 0 : index
      %swap3A_27 = vector.load %arg3[%swap3A_25, %swap3A_26] : memref<1x1xf32, #tpu.memory_space<vmem>>, vector<1x1xf32>
      tpu.vector_store %arg3[%swap3A_25, %swap3A_26], %broadcast_in_dim3A_24 {strides = array<i32>} : memref<1x1xf32, #tpu.memory_space<vmem>>, vector<1x1xf32>,
    } else {
    }
    %get3A = arith.constant 0 : index
    %get3A_2 = arith.constant 0 : index
    %get3A_3 = vector.load %arg1[%get3A, %get3A_2] : memref<3840x85xf32, #tpu.memory_space<vmem>>, vector<3840x85xf32>
    %broadcast_in_dim3A = arith.constant 0.000000e+00 : f32
    %broadcast_in_dim3A_4 = vector.broadcast %broadcast_in_dim3A : f32 to vector<3840x43xf32>
    %concatenate3A = tpu.concatenate %get3A_3, %broadcast_in_dim3A_4 in 1 : vector<3840x85xf32>, vector<3840x43xf32> -> vector<3840x128xf32>
    %swap3A = arith.constant 0 : index
    %swap3A_5 = arith.constant 0 : index
    %swap3A_6 = vector.load %arg2[%swap3A, %swap3A_5] : memref<3840x128xf32, #tpu.memory_space<vmem>>, vector<3840x128xf32>
    tpu.vector_store %arg2[%swap3A, %swap3A_5], %concatenate3A {strides = array<i32>} : memref<3840x128xf32, #tpu.memory_space<vmem>>, vector<3840x128xf32>,
    %get3A_7 = arith.constant 0 : index
    %get3A_8 = arith.constant 0 : index
    %get3A_9 = vector.load %arg3[%get3A_7, %get3A_8] : memref<1x1xf32, #tpu.memory_space<vmem>>, vector<1x1xf32>
    %slice3A = vector.extract_strided_slice %get3A_3 {offsets = [0, 4], sizes = [3840, 1], strides = [1, 1]} : vector<3840x85xf32> to vector<3840x1xf32>
    %max3A = arith.constant 0.000000e+00 : f32
    %max3A_10 = vector.broadcast %max3A : f32 to vector<3840x1xf32>
    %max3A_11 = arith.maximumf %slice3A, %max3A_10 : vector<3840x1xf32>
    %abs3A = math.absf %slice3A : vector<3840x1xf32>
    %neg3A = arith.constant 0.000000e+00 : f32
    %neg3A_12 = vector.broadcast %neg3A : f32 to vector<3840x1xf32>
    %neg3A_13 = arith.subf %neg3A_12, %abs3A : vector<3840x1xf32>
    %exp3A = math.exp %neg3A_13 : vector<3840x1xf32>
    %add3A = arith.constant 1.000000e+00 : f32
    %add3A_14 = vector.broadcast %add3A : f32 to vector<3840x1xf32>
    %add3A_15 = arith.addf %add3A_14, %exp3A : vector<3840x1xf32>
    %log3A = math.log %add3A_15 : vector<3840x1xf32>
    %add3A_16 = arith.addf %max3A_11, %log3A : vector<3840x1xf32>
    %reduce_sum3A = arith.constant dense<0.000000e+00> : vector<1xf32>
    %reduce_sum3A_17 = vector.multi_reduction <add>, %add3A_16, %reduce_sum3A [0] : vector<3840x1xf32> to vector<1xf32>
    %broadcast_in_dim3A_18 = vector.shape_cast %reduce_sum3A_17 : vector<1xf32> to vector<1x1xf32>
    %add3A_19 = arith.addf %get3A_9, %broadcast_in_dim3A_18 : vector<1x1xf32>
    %swap3A_20 = arith.constant 0 : index
    %swap3A_21 = arith.constant 0 : index
    %swap3A_22 = vector.load %arg3[%swap3A_20, %swap3A_21] : memref<1x1xf32, #tpu.memory_space<vmem>>, vector<1x1xf32>
    tpu.vector_store %arg3[%swap3A_20, %swap3A_21], %add3A_19 {strides = array<i32>} : memref<1x1xf32, #tpu.memory_space<vmem>>, vector<1x1xf32>,
    return
  }
  func.func @transform_0(%arg0: i32) -> (i32, i32) {
    %c0_i32 = arith.constant 0 : i32
    %c0_i32_0 = arith.constant 0 : i32
    return %arg0, %c0_i32 : i32, i32
  }
  func.func @transform_1(%arg0: i32) -> (i32, i32) {
    %c0_i32 = arith.constant 0 : i32
    %c0_i32_0 = arith.constant 0 : i32
    return %arg0, %c0_i32 : i32, i32
  }
  func.func @transform_2(%arg0: i32) -> (i32, i32) {
    %c0_i32 = arith.constant 0 : i32
    %c0_i32_0 = arith.constant 0 : i32
    %c0_i32_1 = arith.constant 0 : i32
    return %c0_i32, %c0_i32_0 : i32, i32
  }
}

module attributes {stable_mosaic.version = 14 : i64} {
  func.func @_dense_body(%arg0: i32, %arg1: memref<3840x85xf32, #tpu.memory_space<vmem>>, %arg2: memref<3840x128xf32, #tpu.memory_space<vmem>>, %arg3: memref<1x1xf32, #tpu.memory_space<vmem>>) attributes {dimension_semantics = [#tpu.dimension_semantics<arbitrary>], iteration_bounds = array<i64: 5>, scalar_prefetch = 0 : i64, scratch_operands = 0 : i64, tpu.core_type = #tpu.core_type<tc>, window_params = [{transform_indices = @transform_0, window_bounds = array<i64: 3840, 85>}, {transform_indices = @transform_1, window_bounds = array<i64: 3840, 128>}, {pipeline_mode = #tpu.pipeline_mode<synchronous>, transform_indices = @transform_2, window_bounds = array<i64: 1, 1>}]} {
    %eq3A = arith.constant 0 : i32
    %eq3A_0 = arith.cmpi eq, %arg0, %eq3A : i32
    %convert_element_type3A = arith.extui %eq3A_0 : i1 to i32
    %cond3A = arith.constant 0 : i32
    %cond3A_1 = arith.cmpi ne, %convert_element_type3A, %cond3A : i32
    scf.if %cond3A_1 {
      %broadcast_in_dim3A_23 = arith.constant 0.000000e+00 : f32
      %broadcast_in_dim3A_24 = vector.broadcast %broadcast_in_dim3A_23 : f32 to vector<1x1xf32>
      %swap3A_25 = arith.constant 0 : index
      %swap3A_26 = arith.constant 0 : index
      %swap3A_27 = vector.load %arg3[%swap3A_25, %swap3A_26] : memref<1x1xf32, #tpu.memory_space<vmem>>, vector<1x1xf32>
      tpu.vector_store %arg3[%swap3A_25, %swap3A_26], %broadcast_in_dim3A_24 {strides = array<i32>} : memref<1x1xf32, #tpu.memory_space<vmem>>, vector<1x1xf32>,
    } else {
    }
    %get3A = arith.constant 0 : index
    %get3A_2 = arith.constant 0 : index
    %get3A_3 = vector.load %arg1[%get3A, %get3A_2] : memref<3840x85xf32, #tpu.memory_space<vmem>>, vector<3840x85xf32>
    %broadcast_in_dim3A = arith.constant 0.000000e+00 : f32
    %broadcast_in_dim3A_4 = vector.broadcast %broadcast_in_dim3A : f32 to vector<3840x43xf32>
    %concatenate3A = tpu.concatenate %get3A_3, %broadcast_in_dim3A_4 in 1 : vector<3840x85xf32>, vector<3840x43xf32> -> vector<3840x128xf32>
    %swap3A = arith.constant 0 : index
    %swap3A_5 = arith.constant 0 : index
    %swap3A_6 = vector.load %arg2[%swap3A, %swap3A_5] : memref<3840x128xf32, #tpu.memory_space<vmem>>, vector<3840x128xf32>
    tpu.vector_store %arg2[%swap3A, %swap3A_5], %concatenate3A {strides = array<i32>} : memref<3840x128xf32, #tpu.memory_space<vmem>>, vector<3840x128xf32>,
    %get3A_7 = arith.constant 0 : index
    %get3A_8 = arith.constant 0 : index
    %get3A_9 = vector.load %arg3[%get3A_7, %get3A_8] : memref<1x1xf32, #tpu.memory_space<vmem>>, vector<1x1xf32>
    %slice3A = vector.extract_strided_slice %get3A_3 {offsets = [0, 4], sizes = [3840, 1], strides = [1, 1]} : vector<3840x85xf32> to vector<3840x1xf32>
    %max3A = arith.constant 0.000000e+00 : f32
    %max3A_10 = vector.broadcast %max3A : f32 to vector<3840x1xf32>
    %max3A_11 = arith.maximumf %slice3A, %max3A_10 : vector<3840x1xf32>
    %abs3A = math.absf %slice3A : vector<3840x1xf32>
    %neg3A = arith.constant 0.000000e+00 : f32
    %neg3A_12 = vector.broadcast %neg3A : f32 to vector<3840x1xf32>
    %neg3A_13 = arith.subf %neg3A_12, %abs3A : vector<3840x1xf32>
    %exp3A = math.exp %neg3A_13 : vector<3840x1xf32>
    %add3A = arith.constant 1.000000e+00 : f32
    %add3A_14 = vector.broadcast %add3A : f32 to vector<3840x1xf32>
    %add3A_15 = arith.addf %add3A_14, %exp3A : vector<3840x1xf32>
    %log3A = math.log %add3A_15 : vector<3840x1xf32>
    %add3A_16 = arith.addf %max3A_11, %log3A : vector<3840x1xf32>
    %reduce_sum3A = arith.constant dense<0.000000e+00> : vector<1xf32>
    %reduce_sum3A_17 = vector.multi_reduction <add>, %add3A_16, %reduce_sum3A [0] : vector<3840x1xf32> to vector<1xf32>
    %broadcast_in_dim3A_18 = vector.shape_cast %reduce_sum3A_17 : vector<1xf32> to vector<1x1xf32>
    %add3A_19 = arith.addf %get3A_9, %broadcast_in_dim3A_18 : vector<1x1xf32>
    %swap3A_20 = arith.constant 0 : index
    %swap3A_21 = arith.constant 0 : index
    %swap3A_22 = vector.load %arg3[%swap3A_20, %swap3A_21] : memref<1x1xf32, #tpu.memory_space<vmem>>, vector<1x1xf32>
    tpu.vector_store %arg3[%swap3A_20, %swap3A_21], %add3A_19 {strides = array<i32>} : memref<1x1xf32, #tpu.memory_space<vmem>>, vector<1x1xf32>,
    return
  }
  func.func @transform_0(%arg0: i32) -> (i32, i32) {
    %c0_i32 = arith.constant 0 : i32
    %c0_i32_0 = arith.constant 0 : i32
    return %arg0, %c0_i32 : i32, i32
  }
  func.func @transform_1(%arg0: i32) -> (i32, i32) {
    %c0_i32 = arith.constant 0 : i32
    %c0_i32_0 = arith.constant 0 : i32
    return %arg0, %c0_i32 : i32, i32
  }
  func.func @transform_2(%arg0: i32) -> (i32, i32) {
    %c0_i32 = arith.constant 0 : i32
    %c0_i32_0 = arith.constant 0 : i32
    %c0_i32_1 = arith.constant 0 : i32
    return %c0_i32, %c0_i32_0 : i32, i32
  }
}

module attributes {stable_mosaic.version = 14 : i64} {
  func.func @_row_body(%arg0: i32, %arg1: memref<3072x128xf32, #tpu.memory_space<vmem>>, %arg2: memref<3072x16xf32, #tpu.memory_space<vmem>>, %arg3: memref<2x3072xf32, #tpu.memory_space<vmem>>, %arg4: memref<1x1x4xf32, #tpu.memory_space<vmem>>) attributes {dimension_semantics = [#tpu.dimension_semantics<arbitrary>], iteration_bounds = array<i64: 12>, scalar_prefetch = 0 : i64, scratch_operands = 0 : i64, tpu.core_type = #tpu.core_type<tc>, window_params = [{transform_indices = @transform_0, window_bounds = array<i64: 3072, 128>}, {transform_indices = @transform_1, window_bounds = array<i64: 3072, 16>}, {transform_indices = @transform_2, window_bounds = array<i64: 2, 3072>}, {transform_indices = @transform_3, window_bounds = array<i64: 1, 1, 4>}]} {
    %get3A = arith.constant 0 : index
    %get3A_0 = arith.constant 0 : index
    %get3A_1 = vector.load %arg1[%get3A, %get3A_0] : memref<3072x128xf32, #tpu.memory_space<vmem>>, vector<3072x128xf32>
    %get3A_2 = arith.constant 0 : index
    %get3A_3 = arith.constant 0 : index
    %get3A_4 = vector.load %arg2[%get3A_2, %get3A_3] : memref<3072x16xf32, #tpu.memory_space<vmem>>, vector<3072x16xf32>
    %slice3A = vector.extract_strided_slice %get3A_4 {offsets = [0, 0], sizes = [3072, 1], strides = [1, 1]} : vector<3072x16xf32> to vector<3072x1xf32>
    %slice3A_5 = vector.extract_strided_slice %get3A_4 {offsets = [0, 1], sizes = [3072, 1], strides = [1, 1]} : vector<3072x16xf32> to vector<3072x1xf32>
    %slice3A_6 = vector.extract_strided_slice %get3A_4 {offsets = [0, 2], sizes = [3072, 1], strides = [1, 1]} : vector<3072x16xf32> to vector<3072x1xf32>
    %slice3A_7 = vector.extract_strided_slice %get3A_4 {offsets = [0, 3], sizes = [3072, 1], strides = [1, 1]} : vector<3072x16xf32> to vector<3072x1xf32>
    %slice3A_8 = vector.extract_strided_slice %get3A_4 {offsets = [0, 4], sizes = [3072, 1], strides = [1, 1]} : vector<3072x16xf32> to vector<3072x1xf32>
    %slice3A_9 = vector.extract_strided_slice %get3A_4 {offsets = [0, 5], sizes = [3072, 1], strides = [1, 1]} : vector<3072x16xf32> to vector<3072x1xf32>
    %slice3A_10 = vector.extract_strided_slice %get3A_4 {offsets = [0, 6], sizes = [3072, 1], strides = [1, 1]} : vector<3072x16xf32> to vector<3072x1xf32>
    %slice3A_11 = vector.extract_strided_slice %get3A_4 {offsets = [0, 7], sizes = [3072, 1], strides = [1, 1]} : vector<3072x16xf32> to vector<3072x1xf32>
    %slice3A_12 = vector.extract_strided_slice %get3A_4 {offsets = [0, 8], sizes = [3072, 1], strides = [1, 1]} : vector<3072x16xf32> to vector<3072x1xf32>
    %get3A_13 = arith.constant 0 : index
    %get3A_14 = arith.constant 0 : index
    %get3A_15 = vector.load %arg3[%get3A_13, %get3A_14] : memref<2x3072xf32, #tpu.memory_space<vmem>>, vector<1x3072xf32>
    %slice3A_16 = vector.extract_strided_slice %get3A_1 {offsets = [0, 0], sizes = [3072, 4], strides = [1, 1]} : vector<3072x128xf32> to vector<3072x4xf32>
    %logistic3A = arith.negf %slice3A_16 : vector<3072x4xf32>
    %logistic3A_17 = math.exp %logistic3A : vector<3072x4xf32>
    %logistic3A_18 = arith.constant 1.000000e+00 : f32
    %logistic3A_19 = vector.broadcast %logistic3A_18 : f32 to vector<3072x4xf32>
    %logistic3A_20 = arith.addf %logistic3A_19, %logistic3A_17 : vector<3072x4xf32>
    %logistic3A_21 = arith.divf %logistic3A_19, %logistic3A_20 : vector<3072x4xf32>
    %slice3A_22 = vector.extract_strided_slice %logistic3A_21 {offsets = [0, 0], sizes = [3072, 1], strides = [1, 1]} : vector<3072x4xf32> to vector<3072x1xf32>
    %mul3A = arith.constant 2.000000e+00 : f32
    %mul3A_23 = vector.broadcast %mul3A : f32 to vector<3072x1xf32>
    %mul3A_24 = arith.mulf %slice3A_22, %mul3A_23 : vector<3072x1xf32>
    %sub3A = arith.constant 5.000000e-01 : f32
    %sub3A_25 = vector.broadcast %sub3A : f32 to vector<3072x1xf32>
    %sub3A_26 = arith.subf %mul3A_24, %sub3A_25 : vector<3072x1xf32>
    %slice3A_27 = vector.extract_strided_slice %logistic3A_21 {offsets = [0, 1], sizes = [3072, 1], strides = [1, 1]} : vector<3072x4xf32> to vector<3072x1xf32>
    %mul3A_28 = arith.constant 2.000000e+00 : f32
    %mul3A_29 = vector.broadcast %mul3A_28 : f32 to vector<3072x1xf32>
    %mul3A_30 = arith.mulf %slice3A_27, %mul3A_29 : vector<3072x1xf32>
    %sub3A_31 = arith.constant 5.000000e-01 : f32
    %sub3A_32 = vector.broadcast %sub3A_31 : f32 to vector<3072x1xf32>
    %sub3A_33 = arith.subf %mul3A_30, %sub3A_32 : vector<3072x1xf32>
    %slice3A_34 = vector.extract_strided_slice %logistic3A_21 {offsets = [0, 2], sizes = [3072, 1], strides = [1, 1]} : vector<3072x4xf32> to vector<3072x1xf32>
    %mul3A_35 = arith.constant 2.000000e+00 : f32
    %mul3A_36 = vector.broadcast %mul3A_35 : f32 to vector<3072x1xf32>
    %mul3A_37 = arith.mulf %slice3A_34, %mul3A_36 : vector<3072x1xf32>
    %integer_pow3A = arith.mulf %mul3A_37, %mul3A_37 : vector<3072x1xf32>
    %mul3A_38 = arith.mulf %integer_pow3A, %slice3A_8 : vector<3072x1xf32>
    %slice3A_39 = vector.extract_strided_slice %logistic3A_21 {offsets = [0, 3], sizes = [3072, 1], strides = [1, 1]} : vector<3072x4xf32> to vector<3072x1xf32>
    %mul3A_40 = arith.constant 2.000000e+00 : f32
    %mul3A_41 = vector.broadcast %mul3A_40 : f32 to vector<3072x1xf32>
    %mul3A_42 = arith.mulf %slice3A_39, %mul3A_41 : vector<3072x1xf32>
    %integer_pow3A_43 = arith.mulf %mul3A_42, %mul3A_42 : vector<3072x1xf32>
    %mul3A_44 = arith.mulf %integer_pow3A_43, %slice3A_9 : vector<3072x1xf32>
    %mul3A_45 = arith.constant 5.000000e-01 : f32
    %mul3A_46 = vector.broadcast %mul3A_45 : f32 to vector<3072x1xf32>
    %mul3A_47 = arith.mulf %mul3A_38, %mul3A_46 : vector<3072x1xf32>
    %sub3A_48 = arith.subf %sub3A_26, %mul3A_47 : vector<3072x1xf32>
    %mul3A_49 = arith.constant 5.000000e-01 : f32
    %mul3A_50 = vector.broadcast %mul3A_49 : f32 to vector<3072x1xf32>
    %mul3A_51 = arith.mulf %mul3A_38, %mul3A_50 : vector<3072x1xf32>
    %add3A = arith.addf %sub3A_26, %mul3A_51 : vector<3072x1xf32>
    %mul3A_52 = arith.constant 5.000000e-01 : f32
    %mul3A_53 = vector.broadcast %mul3A_52 : f32 to vector<3072x1xf32>
    %mul3A_54 = arith.mulf %mul3A_44, %mul3A_53 : vector<3072x1xf32>
    %sub3A_55 = arith.subf %sub3A_33, %mul3A_54 : vector<3072x1xf32>
    %mul3A_56 = arith.constant 5.000000e-01 : f32
    %mul3A_57 = vector.broadcast %mul3A_56 : f32 to vector<3072x1xf32>
    %mul3A_58 = arith.mulf %mul3A_44, %mul3A_57 : vector<3072x1xf32>
    %add3A_59 = arith.addf %sub3A_33, %mul3A_58 : vector<3072x1xf32>
    %mul3A_60 = arith.constant 5.000000e-01 : f32
    %mul3A_61 = vector.broadcast %mul3A_60 : f32 to vector<3072x1xf32>
    %mul3A_62 = arith.mulf %slice3A_6, %mul3A_61 : vector<3072x1xf32>
    %sub3A_63 = arith.subf %slice3A, %mul3A_62 : vector<3072x1xf32>
    %mul3A_64 = arith.constant 5.000000e-01 : f32
    %mul3A_65 = vector.broadcast %mul3A_64 : f32 to vector<3072x1xf32>
    %mul3A_66 = arith.mulf %slice3A_6, %mul3A_65 : vector<3072x1xf32>
    %add3A_67 = arith.addf %slice3A, %mul3A_66 : vector<3072x1xf32>
    %mul3A_68 = arith.constant 5.000000e-01 : f32
    %mul3A_69 = vector.broadcast %mul3A_68 : f32 to vector<3072x1xf32>
    %mul3A_70 = arith.mulf %slice3A_7, %mul3A_69 : vector<3072x1xf32>
    %sub3A_71 = arith.subf %slice3A_5, %mul3A_70 : vector<3072x1xf32>
    %mul3A_72 = arith.constant 5.000000e-01 : f32
    %mul3A_73 = vector.broadcast %mul3A_72 : f32 to vector<3072x1xf32>
    %mul3A_74 = arith.mulf %slice3A_7, %mul3A_73 : vector<3072x1xf32>
    %add3A_75 = arith.addf %slice3A_5, %mul3A_74 : vector<3072x1xf32>
    %min3A = arith.minimumf %add3A, %add3A_67 : vector<3072x1xf32>
    %max3A = arith.maximumf %sub3A_48, %sub3A_63 : vector<3072x1xf32>
    %sub3A_76 = arith.subf %min3A, %max3A : vector<3072x1xf32>
    %max3A_77 = arith.constant 0.000000e+00 : f32
    %max3A_78 = vector.broadcast %max3A_77 : f32 to vector<3072x1xf32>
    %max3A_79 = arith.maximumf %sub3A_76, %max3A_78 : vector<3072x1xf32>
    %min3A_80 = arith.minimumf %add3A_59, %add3A_75 : vector<3072x1xf32>
    %max3A_81 = arith.maximumf %sub3A_55, %sub3A_71 : vector<3072x1xf32>
    %sub3A_82 = arith.subf %min3A_80, %max3A_81 : vector<3072x1xf32>
    %max3A_83 = arith.constant 0.000000e+00 : f32
    %max3A_84 = vector.broadcast %max3A_83 : f32 to vector<3072x1xf32>
    %max3A_85 = arith.maximumf %sub3A_82, %max3A_84 : vector<3072x1xf32>
    %mul3A_86 = arith.mulf %max3A_79, %max3A_85 : vector<3072x1xf32>
    %mul3A_87 = arith.mulf %mul3A_38, %mul3A_44 : vector<3072x1xf32>
    %mul3A_88 = arith.mulf %slice3A_6, %slice3A_7 : vector<3072x1xf32>
    %add3A_89 = arith.addf %mul3A_87, %mul3A_88 : vector<3072x1xf32>
    %sub3A_90 = arith.subf %add3A_89, %mul3A_86 : vector<3072x1xf32>
    %add3A_91 = arith.constant 1.000000e-07 : f32
    %add3A_92 = vector.broadcast %add3A_91 : f32 to vector<3072x1xf32>
    %add3A_93 = arith.addf %sub3A_90, %add3A_92 : vector<3072x1xf32>
    %div3A = arith.divf %mul3A_86, %add3A_93 : vector<3072x1xf32>
    %max3A_94 = arith.maximumf %add3A, %add3A_67 : vector<3072x1xf32>
    %min3A_95 = arith.minimumf %sub3A_48, %sub3A_63 : vector<3072x1xf32>
    %sub3A_96 = arith.subf %max3A_94, %min3A_95 : vector<3072x1xf32>
    %max3A_97 = arith.maximumf %add3A_59, %add3A_75 : vector<3072x1xf32>
    %min3A_98 = arith.minimumf %sub3A_55, %sub3A_71 : vector<3072x1xf32>
    %sub3A_99 = arith.subf %max3A_97, %min3A_98 : vector<3072x1xf32>
    %mul3A_100 = arith.mulf %sub3A_96, %sub3A_96 : vector<3072x1xf32>
    %mul3A_101 = arith.mulf %sub3A_99, %sub3A_99 : vector<3072x1xf32>
    %add3A_102 = arith.addf %mul3A_100, %mul3A_101 : vector<3072x1xf32>
    %add3A_103 = arith.constant 1.000000e-07 : f32
    %add3A_104 = vector.broadcast %add3A_103 : f32 to vector<3072x1xf32>
    %add3A_105 = arith.addf %add3A_102, %add3A_104 : vector<3072x1xf32>
    %sub3A_106 = arith.subf %slice3A, %sub3A_26 : vector<3072x1xf32>
    %integer_pow3A_107 = arith.mulf %sub3A_106, %sub3A_106 : vector<3072x1xf32>
    %sub3A_108 = arith.subf %slice3A_5, %sub3A_33 : vector<3072x1xf32>
    %integer_pow3A_109 = arith.mulf %sub3A_108, %sub3A_108 : vector<3072x1xf32>
    %add3A_110 = arith.addf %integer_pow3A_107, %integer_pow3A_109 : vector<3072x1xf32>
    %add3A_111 = arith.constant 1.000000e-07 : f32
    %add3A_112 = vector.broadcast %add3A_111 : f32 to vector<3072x1xf32>
    %add3A_113 = arith.addf %slice3A_7, %add3A_112 : vector<3072x1xf32>
    %div3A_114 = arith.divf %slice3A_6, %add3A_113 : vector<3072x1xf32>
    %gt3A = arith.constant 2.41421366 : f32
    %gt3A_115 = vector.broadcast %gt3A : f32 to vector<3072x1xf32>
    %gt3A_116 = arith.cmpf ogt, %div3A_114, %gt3A_115 : vector<3072x1xf32>
    %gt3A_117 = arith.constant 0.414213568 : f32
    %gt3A_118 = vector.broadcast %gt3A_117 : f32 to vector<3072x1xf32>
    %gt3A_119 = arith.cmpf ogt, %div3A_114, %gt3A_118 : vector<3072x1xf32>
    %not3A = arith.constant dense<true> : vector<3072x1xi1>
    %not3A_120 = arith.xori %gt3A_116, %not3A : vector<3072x1xi1>
    %and3A = arith.andi %gt3A_119, %not3A_120 : vector<3072x1xi1>
    %max3A_121 = arith.constant 1.000000e-30 : f32
    %max3A_122 = vector.broadcast %max3A_121 : f32 to vector<3072x1xf32>
    %max3A_123 = arith.maximumf %div3A_114, %max3A_122 : vector<3072x1xf32>
    %div3A_124 = arith.constant -1.000000e+00 : f32
    %div3A_125 = vector.broadcast %div3A_124 : f32 to vector<3072x1xf32>
    %div3A_126 = arith.divf %div3A_125, %max3A_123 : vector<3072x1xf32>
    %sub3A_127 = arith.constant 1.000000e+00 : f32
    %sub3A_128 = vector.broadcast %sub3A_127 : f32 to vector<3072x1xf32>
    %sub3A_129 = arith.subf %div3A_114, %sub3A_128 : vector<3072x1xf32>
    %add3A_130 = arith.constant 1.000000e+00 : f32
    %add3A_131 = vector.broadcast %add3A_130 : f32 to vector<3072x1xf32>
    %add3A_132 = arith.addf %div3A_114, %add3A_131 : vector<3072x1xf32>
    %div3A_133 = arith.divf %sub3A_129, %add3A_132 : vector<3072x1xf32>
    %select_n3A = arith.select %and3A, %div3A_133, %div3A_114 : vector<3072x1xi1>, vector<3072x1xf32>
    %select_n3A_134 = arith.select %gt3A_116, %div3A_126, %select_n3A : vector<3072x1xi1>, vector<3072x1xf32>
    %jit3A = arith.constant 0.785398185 : f32
    %jit3A_135 = arith.constant 0.000000e+00 : f32
    %broadcast_in_dim3A = vector.broadcast %jit3A : f32 to vector<3072x1xf32>
    %broadcast_in_dim3A_136 = vector.broadcast %jit3A_135 : f32 to vector<3072x1xf32>
    %select_n3A_137 = arith.select %and3A, %broadcast_in_dim3A, %broadcast_in_dim3A_136 : vector<3072x1xi1>, vector<3072x1xf32>
    %jit3A_138 = arith.constant 1.57079637 : f32
    %broadcast_in_dim3A_139 = vector.broadcast %jit3A_138 : f32 to vector<3072x1xf32>
    %select_n3A_140 = arith.select %gt3A_116, %broadcast_in_dim3A_139, %select_n3A_137 : vector<3072x1xi1>, vector<3072x1xf32>
    %mul3A_141 = arith.mulf %select_n3A_134, %select_n3A_134 : vector<3072x1xf32>
    %mul3A_142 = arith.constant 0.0805374458 : f32
    %mul3A_143 = vector.broadcast %mul3A_142 : f32 to vector<3072x1xf32>
    %mul3A_144 = arith.mulf %mul3A_143, %mul3A_141 : vector<3072x1xf32>
    %sub3A_145 = arith.constant 0.138776854 : f32
    %sub3A_146 = vector.broadcast %sub3A_145 : f32 to vector<3072x1xf32>
    %sub3A_147 = arith.subf %mul3A_144, %sub3A_146 : vector<3072x1xf32>
    %mul3A_148 = arith.mulf %sub3A_147, %mul3A_141 : vector<3072x1xf32>
    %add3A_149 = arith.constant 0.199777111 : f32
    %add3A_150 = vector.broadcast %add3A_149 : f32 to vector<3072x1xf32>
    %add3A_151 = arith.addf %mul3A_148, %add3A_150 : vector<3072x1xf32>
    %mul3A_152 = arith.mulf %add3A_151, %mul3A_141 : vector<3072x1xf32>
    %sub3A_153 = arith.constant 0.333329499 : f32
    %sub3A_154 = vector.broadcast %sub3A_153 : f32 to vector<3072x1xf32>
    %sub3A_155 = arith.subf %mul3A_152, %sub3A_154 : vector<3072x1xf32>
    %mul3A_156 = arith.mulf %sub3A_155, %mul3A_141 : vector<3072x1xf32>
    %mul3A_157 = arith.mulf %mul3A_156, %select_n3A_134 : vector<3072x1xf32>
    %add3A_158 = arith.addf %mul3A_157, %select_n3A_134 : vector<3072x1xf32>
    %add3A_159 = arith.addf %select_n3A_140, %add3A_158 : vector<3072x1xf32>
    %add3A_160 = arith.constant 1.000000e-07 : f32
    %add3A_161 = vector.broadcast %add3A_160 : f32 to vector<3072x1xf32>
    %add3A_162 = arith.addf %mul3A_44, %add3A_161 : vector<3072x1xf32>
    %div3A_163 = arith.divf %mul3A_38, %add3A_162 : vector<3072x1xf32>
    %gt3A_164 = arith.constant 2.41421366 : f32
    %gt3A_165 = vector.broadcast %gt3A_164 : f32 to vector<3072x1xf32>
    %gt3A_166 = arith.cmpf ogt, %div3A_163, %gt3A_165 : vector<3072x1xf32>
    %gt3A_167 = arith.constant 0.414213568 : f32
    %gt3A_168 = vector.broadcast %gt3A_167 : f32 to vector<3072x1xf32>
    %gt3A_169 = arith.cmpf ogt, %div3A_163, %gt3A_168 : vector<3072x1xf32>
    %not3A_170 = arith.constant dense<true> : vector<3072x1xi1>
    %not3A_171 = arith.xori %gt3A_166, %not3A_170 : vector<3072x1xi1>
    %and3A_172 = arith.andi %gt3A_169, %not3A_171 : vector<3072x1xi1>
    %max3A_173 = arith.constant 1.000000e-30 : f32
    %max3A_174 = vector.broadcast %max3A_173 : f32 to vector<3072x1xf32>
    %max3A_175 = arith.maximumf %div3A_163, %max3A_174 : vector<3072x1xf32>
    %div3A_176 = arith.constant -1.000000e+00 : f32
    %div3A_177 = vector.broadcast %div3A_176 : f32 to vector<3072x1xf32>
    %div3A_178 = arith.divf %div3A_177, %max3A_175 : vector<3072x1xf32>
    %sub3A_179 = arith.constant 1.000000e+00 : f32
    %sub3A_180 = vector.broadcast %sub3A_179 : f32 to vector<3072x1xf32>
    %sub3A_181 = arith.subf %div3A_163, %sub3A_180 : vector<3072x1xf32>
    %add3A_182 = arith.constant 1.000000e+00 : f32
    %add3A_183 = vector.broadcast %add3A_182 : f32 to vector<3072x1xf32>
    %add3A_184 = arith.addf %div3A_163, %add3A_183 : vector<3072x1xf32>
    %div3A_185 = arith.divf %sub3A_181, %add3A_184 : vector<3072x1xf32>
    %select_n3A_186 = arith.select %and3A_172, %div3A_185, %div3A_163 : vector<3072x1xi1>, vector<3072x1xf32>
    %select_n3A_187 = arith.select %gt3A_166, %div3A_178, %select_n3A_186 : vector<3072x1xi1>, vector<3072x1xf32>
    %jit3A_188 = arith.constant 0.785398185 : f32
    %jit3A_189 = arith.constant 0.000000e+00 : f32
    %broadcast_in_dim3A_190 = vector.broadcast %jit3A_188 : f32 to vector<3072x1xf32>
    %broadcast_in_dim3A_191 = vector.broadcast %jit3A_189 : f32 to vector<3072x1xf32>
    %select_n3A_192 = arith.select %and3A_172, %broadcast_in_dim3A_190, %broadcast_in_dim3A_191 : vector<3072x1xi1>, vector<3072x1xf32>
    %jit3A_193 = arith.constant 1.57079637 : f32
    %broadcast_in_dim3A_194 = vector.broadcast %jit3A_193 : f32 to vector<3072x1xf32>
    %select_n3A_195 = arith.select %gt3A_166, %broadcast_in_dim3A_194, %select_n3A_192 : vector<3072x1xi1>, vector<3072x1xf32>
    %mul3A_196 = arith.mulf %select_n3A_187, %select_n3A_187 : vector<3072x1xf32>
    %mul3A_197 = arith.constant 0.0805374458 : f32
    %mul3A_198 = vector.broadcast %mul3A_197 : f32 to vector<3072x1xf32>
    %mul3A_199 = arith.mulf %mul3A_198, %mul3A_196 : vector<3072x1xf32>
    %sub3A_200 = arith.constant 0.138776854 : f32
    %sub3A_201 = vector.broadcast %sub3A_200 : f32 to vector<3072x1xf32>
    %sub3A_202 = arith.subf %mul3A_199, %sub3A_201 : vector<3072x1xf32>
    %mul3A_203 = arith.mulf %sub3A_202, %mul3A_196 : vector<3072x1xf32>
    %add3A_204 = arith.constant 0.199777111 : f32
    %add3A_205 = vector.broadcast %add3A_204 : f32 to vector<3072x1xf32>
    %add3A_206 = arith.addf %mul3A_203, %add3A_205 : vector<3072x1xf32>
    %mul3A_207 = arith.mulf %add3A_206, %mul3A_196 : vector<3072x1xf32>
    %sub3A_208 = arith.constant 0.333329499 : f32
    %sub3A_209 = vector.broadcast %sub3A_208 : f32 to vector<3072x1xf32>
    %sub3A_210 = arith.subf %mul3A_207, %sub3A_209 : vector<3072x1xf32>
    %mul3A_211 = arith.mulf %sub3A_210, %mul3A_196 : vector<3072x1xf32>
    %mul3A_212 = arith.mulf %mul3A_211, %select_n3A_187 : vector<3072x1xf32>
    %add3A_213 = arith.addf %mul3A_212, %select_n3A_187 : vector<3072x1xf32>
    %add3A_214 = arith.addf %select_n3A_195, %add3A_213 : vector<3072x1xf32>
    %sub3A_215 = arith.subf %add3A_159, %add3A_214 : vector<3072x1xf32>
    %integer_pow3A_216 = arith.mulf %sub3A_215, %sub3A_215 : vector<3072x1xf32>
    %mul3A_217 = arith.constant 0.405284733 : f32
    %mul3A_218 = vector.broadcast %mul3A_217 : f32 to vector<3072x1xf32>
    %mul3A_219 = arith.mulf %mul3A_218, %integer_pow3A_216 : vector<3072x1xf32>
    %sub3A_220 = arith.subf %mul3A_219, %div3A : vector<3072x1xf32>
    %add3A_221 = arith.constant 1.00000012 : f32
    %add3A_222 = vector.broadcast %add3A_221 : f32 to vector<3072x1xf32>
    %add3A_223 = arith.addf %sub3A_220, %add3A_222 : vector<3072x1xf32>
    %div3A_224 = arith.divf %mul3A_219, %add3A_223 : vector<3072x1xf32>
    %div3A_225 = arith.divf %add3A_110, %add3A_105 : vector<3072x1xf32>
    %mul3A_226 = arith.mulf %mul3A_219, %div3A_224 : vector<3072x1xf32>
    %add3A_227 = arith.addf %div3A_225, %mul3A_226 : vector<3072x1xf32>
    %sub3A_228 = arith.subf %div3A, %add3A_227 : vector<3072x1xf32>
    %iota3A = tpu.iota {dimensions = array<i32: 1>} : vector<256x256xi32>
    %iota3A_229 = tpu.iota {dimensions = array<i32: 0>} : vector<256x256xi32>
    %get3A_230 = arith.constant 1 : index
    %get3A_231 = arith.constant 0 : index
    %get3A_232 = vector.load %arg3[%get3A_230, %get3A_231] : memref<2x3072xf32, #tpu.memory_space<vmem>>, vector<1x3072xf32>
    %gt3A_233 = arith.cmpi sgt, %iota3A, %iota3A_229 : vector<256x256xi32>
    %slice3A_234 = vector.extract_strided_slice %slice3A_11 {offsets = [0, 0], sizes = [256, 1], strides = [1, 1]} : vector<3072x1xf32> to vector<256x1xf32>
    %slice3A_235 = vector.extract_strided_slice %get3A_15 {offsets = [0, 0], sizes = [1, 256], strides = [1, 1]} : vector<1x3072xf32> to vector<1x256xf32>
    %eq3A = vector.broadcast %slice3A_234 : vector<256x1xf32> to vector<256x256xf32>
    %eq3A_236 = vector.broadcast %slice3A_235 : vector<1x256xf32> to vector<256x256xf32>
    %eq3A_237 = arith.cmpf oeq, %eq3A, %eq3A_236 : vector<256x256xf32>
    %and3A_238 = arith.andi %eq3A_237, %gt3A_233 : vector<256x256xi1>
    %slice3A_239 = vector.extract_strided_slice %get3A_232 {offsets = [0, 0], sizes = [1, 256], strides = [1, 1]} : vector<1x3072xf32> to vector<1x256xf32>
    %gt3A_240 = arith.constant 0.000000e+00 : f32
    %gt3A_241 = vector.broadcast %gt3A_240 : f32 to vector<1x256xf32>
    %gt3A_242 = arith.cmpf ogt, %slice3A_239, %gt3A_241 : vector<1x256xf32>
    %and3A_243 = vector.broadcast %gt3A_242 : vector<1x256xi1> to vector<256x256xi1>
    %and3A_244 = arith.andi %and3A_238, %and3A_243 : vector<256x256xi1>
    %jit3A_245 = arith.constant 1.000000e+00 : f32
    %jit3A_246 = arith.constant 0.000000e+00 : f32
    %broadcast_in_dim3A_247 = vector.broadcast %jit3A_245 : f32 to vector<256x256xf32>
    %broadcast_in_dim3A_248 = vector.broadcast %jit3A_246 : f32 to vector<256x256xf32>
    %select_n3A_249 = arith.select %and3A_244, %broadcast_in_dim3A_247, %broadcast_in_dim3A_248 : vector<256x256xi1>, vector<256x256xf32>
    %reduce_max3A = arith.constant dense<0xFF800000> : vector<256xf32>
    %reduce_max3A_250 = vector.multi_reduction <maximumf>, %select_n3A_249, %reduce_max3A [1] : vector<256x256xf32> to vector<256xf32>
    %broadcast_in_dim3A_251 = vector.shape_cast %reduce_max3A_250 : vector<256xf32> to vector<256x1xf32>
    %slice3A_252 = vector.extract_strided_slice %slice3A_11 {offsets = [256, 0], sizes = [256, 1], strides = [1, 1]} : vector<3072x1xf32> to vector<256x1xf32>
    %slice3A_253 = vector.extract_strided_slice %get3A_15 {offsets = [0, 256], sizes = [1, 256], strides = [1, 1]} : vector<1x3072xf32> to vector<1x256xf32>
    %eq3A_254 = vector.broadcast %slice3A_252 : vector<256x1xf32> to vector<256x256xf32>
    %eq3A_255 = vector.broadcast %slice3A_253 : vector<1x256xf32> to vector<256x256xf32>
    %eq3A_256 = arith.cmpf oeq, %eq3A_254, %eq3A_255 : vector<256x256xf32>
    %and3A_257 = arith.andi %eq3A_256, %gt3A_233 : vector<256x256xi1>
    %slice3A_258 = vector.extract_strided_slice %get3A_232 {offsets = [0, 256], sizes = [1, 256], strides = [1, 1]} : vector<1x3072xf32> to vector<1x256xf32>
    %gt3A_259 = arith.constant 0.000000e+00 : f32
    %gt3A_260 = vector.broadcast %gt3A_259 : f32 to vector<1x256xf32>
    %gt3A_261 = arith.cmpf ogt, %slice3A_258, %gt3A_260 : vector<1x256xf32>
    %and3A_262 = vector.broadcast %gt3A_261 : vector<1x256xi1> to vector<256x256xi1>
    %and3A_263 = arith.andi %and3A_257, %and3A_262 : vector<256x256xi1>
    %jit3A_264 = arith.constant 1.000000e+00 : f32
    %jit3A_265 = arith.constant 0.000000e+00 : f32
    %broadcast_in_dim3A_266 = vector.broadcast %jit3A_264 : f32 to vector<256x256xf32>
    %broadcast_in_dim3A_267 = vector.broadcast %jit3A_265 : f32 to vector<256x256xf32>
    %select_n3A_268 = arith.select %and3A_263, %broadcast_in_dim3A_266, %broadcast_in_dim3A_267 : vector<256x256xi1>, vector<256x256xf32>
    %reduce_max3A_269 = arith.constant dense<0xFF800000> : vector<256xf32>
    %reduce_max3A_270 = vector.multi_reduction <maximumf>, %select_n3A_268, %reduce_max3A_269 [1] : vector<256x256xf32> to vector<256xf32>
    %broadcast_in_dim3A_271 = vector.shape_cast %reduce_max3A_270 : vector<256xf32> to vector<256x1xf32>
    %slice3A_272 = vector.extract_strided_slice %slice3A_11 {offsets = [512, 0], sizes = [256, 1], strides = [1, 1]} : vector<3072x1xf32> to vector<256x1xf32>
    %slice3A_273 = vector.extract_strided_slice %get3A_15 {offsets = [0, 512], sizes = [1, 256], strides = [1, 1]} : vector<1x3072xf32> to vector<1x256xf32>
    %eq3A_274 = vector.broadcast %slice3A_272 : vector<256x1xf32> to vector<256x256xf32>
    %eq3A_275 = vector.broadcast %slice3A_273 : vector<1x256xf32> to vector<256x256xf32>
    %eq3A_276 = arith.cmpf oeq, %eq3A_274, %eq3A_275 : vector<256x256xf32>
    %and3A_277 = arith.andi %eq3A_276, %gt3A_233 : vector<256x256xi1>
    %slice3A_278 = vector.extract_strided_slice %get3A_232 {offsets = [0, 512], sizes = [1, 256], strides = [1, 1]} : vector<1x3072xf32> to vector<1x256xf32>
    %gt3A_279 = arith.constant 0.000000e+00 : f32
    %gt3A_280 = vector.broadcast %gt3A_279 : f32 to vector<1x256xf32>
    %gt3A_281 = arith.cmpf ogt, %slice3A_278, %gt3A_280 : vector<1x256xf32>
    %and3A_282 = vector.broadcast %gt3A_281 : vector<1x256xi1> to vector<256x256xi1>
    %and3A_283 = arith.andi %and3A_277, %and3A_282 : vector<256x256xi1>
    %jit3A_284 = arith.constant 1.000000e+00 : f32
    %jit3A_285 = arith.constant 0.000000e+00 : f32
    %broadcast_in_dim3A_286 = vector.broadcast %jit3A_284 : f32 to vector<256x256xf32>
    %broadcast_in_dim3A_287 = vector.broadcast %jit3A_285 : f32 to vector<256x256xf32>
    %select_n3A_288 = arith.select %and3A_283, %broadcast_in_dim3A_286, %broadcast_in_dim3A_287 : vector<256x256xi1>, vector<256x256xf32>
    %reduce_max3A_289 = arith.constant dense<0xFF800000> : vector<256xf32>
    %reduce_max3A_290 = vector.multi_reduction <maximumf>, %select_n3A_288, %reduce_max3A_289 [1] : vector<256x256xf32> to vector<256xf32>
    %broadcast_in_dim3A_291 = vector.shape_cast %reduce_max3A_290 : vector<256xf32> to vector<256x1xf32>
    %slice3A_292 = vector.extract_strided_slice %slice3A_11 {offsets = [768, 0], sizes = [256, 1], strides = [1, 1]} : vector<3072x1xf32> to vector<256x1xf32>
    %slice3A_293 = vector.extract_strided_slice %get3A_15 {offsets = [0, 768], sizes = [1, 256], strides = [1, 1]} : vector<1x3072xf32> to vector<1x256xf32>
    %eq3A_294 = vector.broadcast %slice3A_292 : vector<256x1xf32> to vector<256x256xf32>
    %eq3A_295 = vector.broadcast %slice3A_293 : vector<1x256xf32> to vector<256x256xf32>
    %eq3A_296 = arith.cmpf oeq, %eq3A_294, %eq3A_295 : vector<256x256xf32>
    %and3A_297 = arith.andi %eq3A_296, %gt3A_233 : vector<256x256xi1>
    %slice3A_298 = vector.extract_strided_slice %get3A_232 {offsets = [0, 768], sizes = [1, 256], strides = [1, 1]} : vector<1x3072xf32> to vector<1x256xf32>
    %gt3A_299 = arith.constant 0.000000e+00 : f32
    %gt3A_300 = vector.broadcast %gt3A_299 : f32 to vector<1x256xf32>
    %gt3A_301 = arith.cmpf ogt, %slice3A_298, %gt3A_300 : vector<1x256xf32>
    %and3A_302 = vector.broadcast %gt3A_301 : vector<1x256xi1> to vector<256x256xi1>
    %and3A_303 = arith.andi %and3A_297, %and3A_302 : vector<256x256xi1>
    %jit3A_304 = arith.constant 1.000000e+00 : f32
    %jit3A_305 = arith.constant 0.000000e+00 : f32
    %broadcast_in_dim3A_306 = vector.broadcast %jit3A_304 : f32 to vector<256x256xf32>
    %broadcast_in_dim3A_307 = vector.broadcast %jit3A_305 : f32 to vector<256x256xf32>
    %select_n3A_308 = arith.select %and3A_303, %broadcast_in_dim3A_306, %broadcast_in_dim3A_307 : vector<256x256xi1>, vector<256x256xf32>
    %reduce_max3A_309 = arith.constant dense<0xFF800000> : vector<256xf32>
    %reduce_max3A_310 = vector.multi_reduction <maximumf>, %select_n3A_308, %reduce_max3A_309 [1] : vector<256x256xf32> to vector<256xf32>
    %broadcast_in_dim3A_311 = vector.shape_cast %reduce_max3A_310 : vector<256xf32> to vector<256x1xf32>
    %slice3A_312 = vector.extract_strided_slice %slice3A_11 {offsets = [1024, 0], sizes = [256, 1], strides = [1, 1]} : vector<3072x1xf32> to vector<256x1xf32>
    %slice3A_313 = vector.extract_strided_slice %get3A_15 {offsets = [0, 1024], sizes = [1, 256], strides = [1, 1]} : vector<1x3072xf32> to vector<1x256xf32>
    %eq3A_314 = vector.broadcast %slice3A_312 : vector<256x1xf32> to vector<256x256xf32>
    %eq3A_315 = vector.broadcast %slice3A_313 : vector<1x256xf32> to vector<256x256xf32>
    %eq3A_316 = arith.cmpf oeq, %eq3A_314, %eq3A_315 : vector<256x256xf32>
    %and3A_317 = arith.andi %eq3A_316, %gt3A_233 : vector<256x256xi1>
    %slice3A_318 = vector.extract_strided_slice %get3A_232 {offsets = [0, 1024], sizes = [1, 256], strides = [1, 1]} : vector<1x3072xf32> to vector<1x256xf32>
    %gt3A_319 = arith.constant 0.000000e+00 : f32
    %gt3A_320 = vector.broadcast %gt3A_319 : f32 to vector<1x256xf32>
    %gt3A_321 = arith.cmpf ogt, %slice3A_318, %gt3A_320 : vector<1x256xf32>
    %and3A_322 = vector.broadcast %gt3A_321 : vector<1x256xi1> to vector<256x256xi1>
    %and3A_323 = arith.andi %and3A_317, %and3A_322 : vector<256x256xi1>
    %jit3A_324 = arith.constant 1.000000e+00 : f32
    %jit3A_325 = arith.constant 0.000000e+00 : f32
    %broadcast_in_dim3A_326 = vector.broadcast %jit3A_324 : f32 to vector<256x256xf32>
    %broadcast_in_dim3A_327 = vector.broadcast %jit3A_325 : f32 to vector<256x256xf32>
    %select_n3A_328 = arith.select %and3A_323, %broadcast_in_dim3A_326, %broadcast_in_dim3A_327 : vector<256x256xi1>, vector<256x256xf32>
    %reduce_max3A_329 = arith.constant dense<0xFF800000> : vector<256xf32>
    %reduce_max3A_330 = vector.multi_reduction <maximumf>, %select_n3A_328, %reduce_max3A_329 [1] : vector<256x256xf32> to vector<256xf32>
    %broadcast_in_dim3A_331 = vector.shape_cast %reduce_max3A_330 : vector<256xf32> to vector<256x1xf32>
    %slice3A_332 = vector.extract_strided_slice %slice3A_11 {offsets = [1280, 0], sizes = [256, 1], strides = [1, 1]} : vector<3072x1xf32> to vector<256x1xf32>
    %slice3A_333 = vector.extract_strided_slice %get3A_15 {offsets = [0, 1280], sizes = [1, 256], strides = [1, 1]} : vector<1x3072xf32> to vector<1x256xf32>
    %eq3A_334 = vector.broadcast %slice3A_332 : vector<256x1xf32> to vector<256x256xf32>
    %eq3A_335 = vector.broadcast %slice3A_333 : vector<1x256xf32> to vector<256x256xf32>
    %eq3A_336 = arith.cmpf oeq, %eq3A_334, %eq3A_335 : vector<256x256xf32>
    %and3A_337 = arith.andi %eq3A_336, %gt3A_233 : vector<256x256xi1>
    %slice3A_338 = vector.extract_strided_slice %get3A_232 {offsets = [0, 1280], sizes = [1, 256], strides = [1, 1]} : vector<1x3072xf32> to vector<1x256xf32>
    %gt3A_339 = arith.constant 0.000000e+00 : f32
    %gt3A_340 = vector.broadcast %gt3A_339 : f32 to vector<1x256xf32>
    %gt3A_341 = arith.cmpf ogt, %slice3A_338, %gt3A_340 : vector<1x256xf32>
    %and3A_342 = vector.broadcast %gt3A_341 : vector<1x256xi1> to vector<256x256xi1>
    %and3A_343 = arith.andi %and3A_337, %and3A_342 : vector<256x256xi1>
    %jit3A_344 = arith.constant 1.000000e+00 : f32
    %jit3A_345 = arith.constant 0.000000e+00 : f32
    %broadcast_in_dim3A_346 = vector.broadcast %jit3A_344 : f32 to vector<256x256xf32>
    %broadcast_in_dim3A_347 = vector.broadcast %jit3A_345 : f32 to vector<256x256xf32>
    %select_n3A_348 = arith.select %and3A_343, %broadcast_in_dim3A_346, %broadcast_in_dim3A_347 : vector<256x256xi1>, vector<256x256xf32>
    %reduce_max3A_349 = arith.constant dense<0xFF800000> : vector<256xf32>
    %reduce_max3A_350 = vector.multi_reduction <maximumf>, %select_n3A_348, %reduce_max3A_349 [1] : vector<256x256xf32> to vector<256xf32>
    %broadcast_in_dim3A_351 = vector.shape_cast %reduce_max3A_350 : vector<256xf32> to vector<256x1xf32>
    %slice3A_352 = vector.extract_strided_slice %slice3A_11 {offsets = [1536, 0], sizes = [256, 1], strides = [1, 1]} : vector<3072x1xf32> to vector<256x1xf32>
    %slice3A_353 = vector.extract_strided_slice %get3A_15 {offsets = [0, 1536], sizes = [1, 256], strides = [1, 1]} : vector<1x3072xf32> to vector<1x256xf32>
    %eq3A_354 = vector.broadcast %slice3A_352 : vector<256x1xf32> to vector<256x256xf32>
    %eq3A_355 = vector.broadcast %slice3A_353 : vector<1x256xf32> to vector<256x256xf32>
    %eq3A_356 = arith.cmpf oeq, %eq3A_354, %eq3A_355 : vector<256x256xf32>
    %and3A_357 = arith.andi %eq3A_356, %gt3A_233 : vector<256x256xi1>
    %slice3A_358 = vector.extract_strided_slice %get3A_232 {offsets = [0, 1536], sizes = [1, 256], strides = [1, 1]} : vector<1x3072xf32> to vector<1x256xf32>
    %gt3A_359 = arith.constant 0.000000e+00 : f32
    %gt3A_360 = vector.broadcast %gt3A_359 : f32 to vector<1x256xf32>
    %gt3A_361 = arith.cmpf ogt, %slice3A_358, %gt3A_360 : vector<1x256xf32>
    %and3A_362 = vector.broadcast %gt3A_361 : vector<1x256xi1> to vector<256x256xi1>
    %and3A_363 = arith.andi %and3A_357, %and3A_362 : vector<256x256xi1>
    %jit3A_364 = arith.constant 1.000000e+00 : f32
    %jit3A_365 = arith.constant 0.000000e+00 : f32
    %broadcast_in_dim3A_366 = vector.broadcast %jit3A_364 : f32 to vector<256x256xf32>
    %broadcast_in_dim3A_367 = vector.broadcast %jit3A_365 : f32 to vector<256x256xf32>
    %select_n3A_368 = arith.select %and3A_363, %broadcast_in_dim3A_366, %broadcast_in_dim3A_367 : vector<256x256xi1>, vector<256x256xf32>
    %reduce_max3A_369 = arith.constant dense<0xFF800000> : vector<256xf32>
    %reduce_max3A_370 = vector.multi_reduction <maximumf>, %select_n3A_368, %reduce_max3A_369 [1] : vector<256x256xf32> to vector<256xf32>
    %broadcast_in_dim3A_371 = vector.shape_cast %reduce_max3A_370 : vector<256xf32> to vector<256x1xf32>
    %slice3A_372 = vector.extract_strided_slice %slice3A_11 {offsets = [1792, 0], sizes = [256, 1], strides = [1, 1]} : vector<3072x1xf32> to vector<256x1xf32>
    %slice3A_373 = vector.extract_strided_slice %get3A_15 {offsets = [0, 1792], sizes = [1, 256], strides = [1, 1]} : vector<1x3072xf32> to vector<1x256xf32>
    %eq3A_374 = vector.broadcast %slice3A_372 : vector<256x1xf32> to vector<256x256xf32>
    %eq3A_375 = vector.broadcast %slice3A_373 : vector<1x256xf32> to vector<256x256xf32>
    %eq3A_376 = arith.cmpf oeq, %eq3A_374, %eq3A_375 : vector<256x256xf32>
    %and3A_377 = arith.andi %eq3A_376, %gt3A_233 : vector<256x256xi1>
    %slice3A_378 = vector.extract_strided_slice %get3A_232 {offsets = [0, 1792], sizes = [1, 256], strides = [1, 1]} : vector<1x3072xf32> to vector<1x256xf32>
    %gt3A_379 = arith.constant 0.000000e+00 : f32
    %gt3A_380 = vector.broadcast %gt3A_379 : f32 to vector<1x256xf32>
    %gt3A_381 = arith.cmpf ogt, %slice3A_378, %gt3A_380 : vector<1x256xf32>
    %and3A_382 = vector.broadcast %gt3A_381 : vector<1x256xi1> to vector<256x256xi1>
    %and3A_383 = arith.andi %and3A_377, %and3A_382 : vector<256x256xi1>
    %jit3A_384 = arith.constant 1.000000e+00 : f32
    %jit3A_385 = arith.constant 0.000000e+00 : f32
    %broadcast_in_dim3A_386 = vector.broadcast %jit3A_384 : f32 to vector<256x256xf32>
    %broadcast_in_dim3A_387 = vector.broadcast %jit3A_385 : f32 to vector<256x256xf32>
    %select_n3A_388 = arith.select %and3A_383, %broadcast_in_dim3A_386, %broadcast_in_dim3A_387 : vector<256x256xi1>, vector<256x256xf32>
    %reduce_max3A_389 = arith.constant dense<0xFF800000> : vector<256xf32>
    %reduce_max3A_390 = vector.multi_reduction <maximumf>, %select_n3A_388, %reduce_max3A_389 [1] : vector<256x256xf32> to vector<256xf32>
    %broadcast_in_dim3A_391 = vector.shape_cast %reduce_max3A_390 : vector<256xf32> to vector<256x1xf32>
    %slice3A_392 = vector.extract_strided_slice %slice3A_11 {offsets = [2048, 0], sizes = [256, 1], strides = [1, 1]} : vector<3072x1xf32> to vector<256x1xf32>
    %slice3A_393 = vector.extract_strided_slice %get3A_15 {offsets = [0, 2048], sizes = [1, 256], strides = [1, 1]} : vector<1x3072xf32> to vector<1x256xf32>
    %eq3A_394 = vector.broadcast %slice3A_392 : vector<256x1xf32> to vector<256x256xf32>
    %eq3A_395 = vector.broadcast %slice3A_393 : vector<1x256xf32> to vector<256x256xf32>
    %eq3A_396 = arith.cmpf oeq, %eq3A_394, %eq3A_395 : vector<256x256xf32>
    %and3A_397 = arith.andi %eq3A_396, %gt3A_233 : vector<256x256xi1>
    %slice3A_398 = vector.extract_strided_slice %get3A_232 {offsets = [0, 2048], sizes = [1, 256], strides = [1, 1]} : vector<1x3072xf32> to vector<1x256xf32>
    %gt3A_399 = arith.constant 0.000000e+00 : f32
    %gt3A_400 = vector.broadcast %gt3A_399 : f32 to vector<1x256xf32>
    %gt3A_401 = arith.cmpf ogt, %slice3A_398, %gt3A_400 : vector<1x256xf32>
    %and3A_402 = vector.broadcast %gt3A_401 : vector<1x256xi1> to vector<256x256xi1>
    %and3A_403 = arith.andi %and3A_397, %and3A_402 : vector<256x256xi1>
    %jit3A_404 = arith.constant 1.000000e+00 : f32
    %jit3A_405 = arith.constant 0.000000e+00 : f32
    %broadcast_in_dim3A_406 = vector.broadcast %jit3A_404 : f32 to vector<256x256xf32>
    %broadcast_in_dim3A_407 = vector.broadcast %jit3A_405 : f32 to vector<256x256xf32>
    %select_n3A_408 = arith.select %and3A_403, %broadcast_in_dim3A_406, %broadcast_in_dim3A_407 : vector<256x256xi1>, vector<256x256xf32>
    %reduce_max3A_409 = arith.constant dense<0xFF800000> : vector<256xf32>
    %reduce_max3A_410 = vector.multi_reduction <maximumf>, %select_n3A_408, %reduce_max3A_409 [1] : vector<256x256xf32> to vector<256xf32>
    %broadcast_in_dim3A_411 = vector.shape_cast %reduce_max3A_410 : vector<256xf32> to vector<256x1xf32>
    %slice3A_412 = vector.extract_strided_slice %slice3A_11 {offsets = [2304, 0], sizes = [256, 1], strides = [1, 1]} : vector<3072x1xf32> to vector<256x1xf32>
    %slice3A_413 = vector.extract_strided_slice %get3A_15 {offsets = [0, 2304], sizes = [1, 256], strides = [1, 1]} : vector<1x3072xf32> to vector<1x256xf32>
    %eq3A_414 = vector.broadcast %slice3A_412 : vector<256x1xf32> to vector<256x256xf32>
    %eq3A_415 = vector.broadcast %slice3A_413 : vector<1x256xf32> to vector<256x256xf32>
    %eq3A_416 = arith.cmpf oeq, %eq3A_414, %eq3A_415 : vector<256x256xf32>
    %and3A_417 = arith.andi %eq3A_416, %gt3A_233 : vector<256x256xi1>
    %slice3A_418 = vector.extract_strided_slice %get3A_232 {offsets = [0, 2304], sizes = [1, 256], strides = [1, 1]} : vector<1x3072xf32> to vector<1x256xf32>
    %gt3A_419 = arith.constant 0.000000e+00 : f32
    %gt3A_420 = vector.broadcast %gt3A_419 : f32 to vector<1x256xf32>
    %gt3A_421 = arith.cmpf ogt, %slice3A_418, %gt3A_420 : vector<1x256xf32>
    %and3A_422 = vector.broadcast %gt3A_421 : vector<1x256xi1> to vector<256x256xi1>
    %and3A_423 = arith.andi %and3A_417, %and3A_422 : vector<256x256xi1>
    %jit3A_424 = arith.constant 1.000000e+00 : f32
    %jit3A_425 = arith.constant 0.000000e+00 : f32
    %broadcast_in_dim3A_426 = vector.broadcast %jit3A_424 : f32 to vector<256x256xf32>
    %broadcast_in_dim3A_427 = vector.broadcast %jit3A_425 : f32 to vector<256x256xf32>
    %select_n3A_428 = arith.select %and3A_423, %broadcast_in_dim3A_426, %broadcast_in_dim3A_427 : vector<256x256xi1>, vector<256x256xf32>
    %reduce_max3A_429 = arith.constant dense<0xFF800000> : vector<256xf32>
    %reduce_max3A_430 = vector.multi_reduction <maximumf>, %select_n3A_428, %reduce_max3A_429 [1] : vector<256x256xf32> to vector<256xf32>
    %broadcast_in_dim3A_431 = vector.shape_cast %reduce_max3A_430 : vector<256xf32> to vector<256x1xf32>
    %slice3A_432 = vector.extract_strided_slice %slice3A_11 {offsets = [2560, 0], sizes = [256, 1], strides = [1, 1]} : vector<3072x1xf32> to vector<256x1xf32>
    %slice3A_433 = vector.extract_strided_slice %get3A_15 {offsets = [0, 2560], sizes = [1, 256], strides = [1, 1]} : vector<1x3072xf32> to vector<1x256xf32>
    %eq3A_434 = vector.broadcast %slice3A_432 : vector<256x1xf32> to vector<256x256xf32>
    %eq3A_435 = vector.broadcast %slice3A_433 : vector<1x256xf32> to vector<256x256xf32>
    %eq3A_436 = arith.cmpf oeq, %eq3A_434, %eq3A_435 : vector<256x256xf32>
    %and3A_437 = arith.andi %eq3A_436, %gt3A_233 : vector<256x256xi1>
    %slice3A_438 = vector.extract_strided_slice %get3A_232 {offsets = [0, 2560], sizes = [1, 256], strides = [1, 1]} : vector<1x3072xf32> to vector<1x256xf32>
    %gt3A_439 = arith.constant 0.000000e+00 : f32
    %gt3A_440 = vector.broadcast %gt3A_439 : f32 to vector<1x256xf32>
    %gt3A_441 = arith.cmpf ogt, %slice3A_438, %gt3A_440 : vector<1x256xf32>
    %and3A_442 = vector.broadcast %gt3A_441 : vector<1x256xi1> to vector<256x256xi1>
    %and3A_443 = arith.andi %and3A_437, %and3A_442 : vector<256x256xi1>
    %jit3A_444 = arith.constant 1.000000e+00 : f32
    %jit3A_445 = arith.constant 0.000000e+00 : f32
    %broadcast_in_dim3A_446 = vector.broadcast %jit3A_444 : f32 to vector<256x256xf32>
    %broadcast_in_dim3A_447 = vector.broadcast %jit3A_445 : f32 to vector<256x256xf32>
    %select_n3A_448 = arith.select %and3A_443, %broadcast_in_dim3A_446, %broadcast_in_dim3A_447 : vector<256x256xi1>, vector<256x256xf32>
    %reduce_max3A_449 = arith.constant dense<0xFF800000> : vector<256xf32>
    %reduce_max3A_450 = vector.multi_reduction <maximumf>, %select_n3A_448, %reduce_max3A_449 [1] : vector<256x256xf32> to vector<256xf32>
    %broadcast_in_dim3A_451 = vector.shape_cast %reduce_max3A_450 : vector<256xf32> to vector<256x1xf32>
    %slice3A_452 = vector.extract_strided_slice %slice3A_11 {offsets = [2816, 0], sizes = [256, 1], strides = [1, 1]} : vector<3072x1xf32> to vector<256x1xf32>
    %slice3A_453 = vector.extract_strided_slice %get3A_15 {offsets = [0, 2816], sizes = [1, 256], strides = [1, 1]} : vector<1x3072xf32> to vector<1x256xf32>
    %eq3A_454 = vector.broadcast %slice3A_452 : vector<256x1xf32> to vector<256x256xf32>
    %eq3A_455 = vector.broadcast %slice3A_453 : vector<1x256xf32> to vector<256x256xf32>
    %eq3A_456 = arith.cmpf oeq, %eq3A_454, %eq3A_455 : vector<256x256xf32>
    %and3A_457 = arith.andi %eq3A_456, %gt3A_233 : vector<256x256xi1>
    %slice3A_458 = vector.extract_strided_slice %get3A_232 {offsets = [0, 2816], sizes = [1, 256], strides = [1, 1]} : vector<1x3072xf32> to vector<1x256xf32>
    %gt3A_459 = arith.constant 0.000000e+00 : f32
    %gt3A_460 = vector.broadcast %gt3A_459 : f32 to vector<1x256xf32>
    %gt3A_461 = arith.cmpf ogt, %slice3A_458, %gt3A_460 : vector<1x256xf32>
    %and3A_462 = vector.broadcast %gt3A_461 : vector<1x256xi1> to vector<256x256xi1>
    %and3A_463 = arith.andi %and3A_457, %and3A_462 : vector<256x256xi1>
    %jit3A_464 = arith.constant 1.000000e+00 : f32
    %jit3A_465 = arith.constant 0.000000e+00 : f32
    %broadcast_in_dim3A_466 = vector.broadcast %jit3A_464 : f32 to vector<256x256xf32>
    %broadcast_in_dim3A_467 = vector.broadcast %jit3A_465 : f32 to vector<256x256xf32>
    %select_n3A_468 = arith.select %and3A_463, %broadcast_in_dim3A_466, %broadcast_in_dim3A_467 : vector<256x256xi1>, vector<256x256xf32>
    %reduce_max3A_469 = arith.constant dense<0xFF800000> : vector<256xf32>
    %reduce_max3A_470 = vector.multi_reduction <maximumf>, %select_n3A_468, %reduce_max3A_469 [1] : vector<256x256xf32> to vector<256xf32>
    %broadcast_in_dim3A_471 = vector.shape_cast %reduce_max3A_470 : vector<256xf32> to vector<256x1xf32>
    %concatenate3A = tpu.concatenate %broadcast_in_dim3A_251, %broadcast_in_dim3A_271, %broadcast_in_dim3A_291, %broadcast_in_dim3A_311, %broadcast_in_dim3A_331, %broadcast_in_dim3A_351, %broadcast_in_dim3A_371, %broadcast_in_dim3A_391, %broadcast_in_dim3A_411, %broadcast_in_dim3A_431, %broadcast_in_dim3A_451, %broadcast_in_dim3A_471 in 0 : vector<256x1xf32>, vector<256x1xf32>, vector<256x1xf32>, vector<256x1xf32>, vector<256x1xf32>, vector<256x1xf32>, vector<256x1xf32>, vector<256x1xf32>, vector<256x1xf32>, vector<256x1xf32>, vector<256x1xf32>, vector<256x1xf32> -> vector<3072x1xf32>
    %sub3A_472 = arith.constant 1.000000e+00 : f32
    %sub3A_473 = vector.broadcast %sub3A_472 : f32 to vector<3072x1xf32>
    %sub3A_474 = arith.subf %sub3A_473, %concatenate3A : vector<3072x1xf32>
    %mul3A_475 = arith.mulf %slice3A_10, %sub3A_474 : vector<3072x1xf32>
    %slice3A_476 = vector.extract_strided_slice %get3A_1 {offsets = [0, 5], sizes = [3072, 80], strides = [1, 1]} : vector<3072x128xf32> to vector<3072x80xf32>
    %max3A_477 = arith.constant 0.000000e+00 : f32
    %max3A_478 = vector.broadcast %max3A_477 : f32 to vector<3072x80xf32>
    %max3A_479 = arith.maximumf %slice3A_476, %max3A_478 : vector<3072x80xf32>
    %abs3A = math.absf %slice3A_476 : vector<3072x80xf32>
    %neg3A = arith.constant 0.000000e+00 : f32
    %neg3A_480 = vector.broadcast %neg3A : f32 to vector<3072x80xf32>
    %neg3A_481 = arith.subf %neg3A_480, %abs3A : vector<3072x80xf32>
    %exp3A = math.exp %neg3A_481 : vector<3072x80xf32>
    %add3A_482 = arith.constant 1.000000e+00 : f32
    %add3A_483 = vector.broadcast %add3A_482 : f32 to vector<3072x80xf32>
    %add3A_484 = arith.addf %add3A_483, %exp3A : vector<3072x80xf32>
    %log3A = math.log %add3A_484 : vector<3072x80xf32>
    %add3A_485 = arith.addf %max3A_479, %log3A : vector<3072x80xf32>
    %reduce_sum3A = arith.constant dense<0.000000e+00> : vector<3072xf32>
    %reduce_sum3A_486 = vector.multi_reduction <add>, %add3A_485, %reduce_sum3A [1] : vector<3072x80xf32> to vector<3072xf32>
    %broadcast_in_dim3A_487 = vector.shape_cast %reduce_sum3A_486 : vector<3072xf32> to vector<3072x1xf32>
    %iota3A_488 = tpu.iota {dimensions = array<i32: 1>} : vector<3072x80xi32>
    %convert_element_type3A = arith.fptosi %slice3A_12 : vector<3072x1xf32> to vector<3072x1xi32>
    %eq3A_489 = vector.broadcast %convert_element_type3A : vector<3072x1xi32> to vector<3072x80xi32>
    %eq3A_490 = arith.cmpi eq, %iota3A_488, %eq3A_489 : vector<3072x80xi32>
    %jit3A_491 = arith.constant 0.000000e+00 : f32
    %broadcast_in_dim3A_492 = vector.broadcast %jit3A_491 : f32 to vector<3072x80xf32>
    %select_n3A_493 = arith.select %eq3A_490, %slice3A_476, %broadcast_in_dim3A_492 : vector<3072x80xi1>, vector<3072x80xf32>
    %reduce_sum3A_494 = arith.constant dense<0.000000e+00> : vector<3072xf32>
    %reduce_sum3A_495 = vector.multi_reduction <add>, %select_n3A_493, %reduce_sum3A_494 [1] : vector<3072x80xf32> to vector<3072xf32>
    %broadcast_in_dim3A_496 = vector.shape_cast %reduce_sum3A_495 : vector<3072xf32> to vector<3072x1xf32>
    %sub3A_497 = arith.subf %broadcast_in_dim3A_487, %broadcast_in_dim3A_496 : vector<3072x1xf32>
    %slice3A_498 = vector.extract_strided_slice %get3A_1 {offsets = [0, 4], sizes = [3072, 1], strides = [1, 1]} : vector<3072x128xf32> to vector<3072x1xf32>
    %sub3A_499 = arith.constant 1.000000e+00 : f32
    %sub3A_500 = vector.broadcast %sub3A_499 : f32 to vector<3072x1xf32>
    %sub3A_501 = arith.subf %sub3A_500, %sub3A_228 : vector<3072x1xf32>
    %mul3A_502 = arith.mulf %slice3A_10, %sub3A_501 : vector<3072x1xf32>
    %reduce_sum3A_503 = arith.constant dense<0.000000e+00> : vector<1xf32>
    %reduce_sum3A_504 = vector.multi_reduction <add>, %mul3A_502, %reduce_sum3A_503 [0] : vector<3072x1xf32> to vector<1xf32>
    %broadcast_in_dim3A_505 = vector.shape_cast %reduce_sum3A_504 : vector<1xf32> to vector<1x1xf32>
    %reduce_sum3A_506 = arith.constant dense<0.000000e+00> : vector<1xf32>
    %reduce_sum3A_507 = vector.multi_reduction <add>, %slice3A_10, %reduce_sum3A_506 [0] : vector<3072x1xf32> to vector<1xf32>
    %broadcast_in_dim3A_508 = vector.shape_cast %reduce_sum3A_507 : vector<1xf32> to vector<1x1xf32>
    %mul3A_509 = arith.mulf %slice3A_10, %sub3A_497 : vector<3072x1xf32>
    %reduce_sum3A_510 = arith.constant dense<0.000000e+00> : vector<1xf32>
    %reduce_sum3A_511 = vector.multi_reduction <add>, %mul3A_509, %reduce_sum3A_510 [0] : vector<3072x1xf32> to vector<1xf32>
    %broadcast_in_dim3A_512 = vector.shape_cast %reduce_sum3A_511 : vector<1xf32> to vector<1x1xf32>
    %max3A_513 = arith.constant 0.000000e+00 : f32
    %max3A_514 = vector.broadcast %max3A_513 : f32 to vector<3072x1xf32>
    %max3A_515 = arith.maximumf %sub3A_228, %max3A_514 : vector<3072x1xf32>
    %mul3A_516 = arith.mulf %mul3A_475, %max3A_515 : vector<3072x1xf32>
    %mul3A_517 = arith.mulf %mul3A_516, %slice3A_498 : vector<3072x1xf32>
    %reduce_sum3A_518 = arith.constant dense<0.000000e+00> : vector<1xf32>
    %reduce_sum3A_519 = vector.multi_reduction <add>, %mul3A_517, %reduce_sum3A_518 [0] : vector<3072x1xf32> to vector<1xf32>
    %broadcast_in_dim3A_520 = vector.shape_cast %reduce_sum3A_519 : vector<1xf32> to vector<1x1xf32>
    %concatenate3A_521 = tpu.concatenate %broadcast_in_dim3A_505, %broadcast_in_dim3A_508, %broadcast_in_dim3A_512, %broadcast_in_dim3A_520 in 1 : vector<1x1xf32>, vector<1x1xf32>, vector<1x1xf32>, vector<1x1xf32> -> vector<1x4xf32>
    %reshape3A = vector.shape_cast %concatenate3A_521 : vector<1x4xf32> to vector<1x1x4xf32>
    %swap3A = arith.constant 0 : index
    %swap3A_522 = arith.constant 0 : index
    %swap3A_523 = arith.constant 0 : index
    %swap3A_524 = vector.load %arg4[%swap3A, %swap3A_522, %swap3A_523] : memref<1x1x4xf32, #tpu.memory_space<vmem>>, vector<1x1x4xf32>
    tpu.vector_store %arg4[%swap3A, %swap3A_522, %swap3A_523], %reshape3A {strides = array<i32>} : memref<1x1x4xf32, #tpu.memory_space<vmem>>, vector<1x1x4xf32>,
    return
  }
  func.func @transform_0(%arg0: i32) -> (i32, i32) {
    %c0_i32 = arith.constant 0 : i32
    %c0_i32_0 = arith.constant 0 : i32
    return %arg0, %c0_i32 : i32, i32
  }
  func.func @transform_1(%arg0: i32) -> (i32, i32) {
    %c0_i32 = arith.constant 0 : i32
    %c0_i32_0 = arith.constant 0 : i32
    return %arg0, %c0_i32 : i32, i32
  }
  func.func @transform_2(%arg0: i32) -> (i32, i32) {
    %c0_i32 = arith.constant 0 : i32
    %c0_i32_0 = arith.constant 0 : i32
    return %c0_i32, %arg0 : i32, i32
  }
  func.func @transform_3(%arg0: i32) -> (i32, i32, i32) {
    %c0_i32 = arith.constant 0 : i32
    %c0_i32_0 = arith.constant 0 : i32
    %c0_i32_1 = arith.constant 0 : i32
    return %arg0, %c0_i32, %c0_i32_0 : i32, i32, i32
  }
}

</mosaic_0001>

<sc_bundles>
// kernel: kernel.7.cloned.1.call-start
scs
__scs_entry_jumppad:
0x0: {  	(pc) =	sbr.rel $0x88, $3  }
0x1: {  	(tag) =	ssettag $0x0;
	lr =	simm.s32 $0x1  }
0x2: {  	[smem:$0x3F9C] =	sst lr;
	_ =	strace $0xD0000000  }
0x3: {  	_ = 	snop  }
0x4: {  	_ = 	snop  }
0x5: {  	_ = 	snop  }
0x6: {  	_ = 	snop  }
0x7: {  	_ = 	snop  }
__scs_overlays_trampoline_lowered:
0x8: {  	[smem:$0x3FAB] =	sst s0  }
0x9: {  	[smem:$0x3FAC] =	sst s1  }
0xa: {  	[smem:$0x3FAD] =	sst s2  }
0xb: {  	[smem:$0x3FAE] =	sst s3  }
0xc: {  	[smem:$0x3FAF] =	sst s4  }
0xd: {  	[smem:$0x3FB0] =	sst s5  }
0xe: {  	[smem:$0x3FB1] =	sst s6  }
0xf: {  	[smem:$0x3FB2] =	sst s7  }
0x10: {  	[smem:$0x3FB3] =	sst s8  }
0x11: {  	[smem:$0x3FB4] =	sst s9;
	s0 =	simm.s32 @!p0 $0x0  }
0x12: {  	s1 =	sld [smem:$0x3F9A];
	s0 =	simm.s32 @p0 $0x1  }
0x13: {  	[smem:$0x3FB5] =	sst s0;
	s0 =	simm.s32 @!p1 $0x0  }
0x14: {  	s2 =	sld [smem:$0x3F99];
	s0 =	simm.s32 @p1 $0x1  }
0x15: {  	[smem:$0x3FB6] =	sst s0;
	s0 =	simm.s32 @!p2 $0x0  }
0x16: {  	s3 =	sld [smem:$0x3FDB];
	s0 =	simm.s32 @p2 $0x1  }
0x17: {  	s4 =	simm.s32 $0x1BF5;
	[smem:$0x3FB8] =	sst s0  }
0x18: {  	s0 =	sld [smem:$0x3F9B];
	_ =	swait.ge [sflag:s4], $0x0  }
0x19: {  	s7 =	sld [smem:$0x3F9C]  }
0x1a: {  	s8 =	sadd.s32 $0xFFFFE003, lr  }
0x1b: {  	s9 =	sadd.s32 $0xFFFFFEF7, lr;
	s5 =	simm.s32 $0xFFFFFFFF;
	p2 =	slt.u32 s8, $0xFFFFF086  }
0x1c: {  	p1 =	slt.u32 s9, $0xF7A;
	s5 =	simm.s32 @!p2 $0x0  }
0x1d: {  	s5 =	simm.s32 @p1 $0x1;
	p0 =	seq.s32 s7, s2  }
0x1e: {  	s7 =	smul.u32 @!p0 $0xF7A, s2;
	p2 =	seq.s32 @!p0 s5, $0x0  }
0x1f: {  	s9 =	smul.u32 $0xF7A, s1;
	s8 =	simm.s32 @!p0 $0x1BF5;
	p2 =	por !p2, p0  }
0x20: {  	[sflag:s8] =	ssyncset.s32 @!p0 $0xFFFFF086;
	s6 =	sadd.s32 @!p0 s3, s7;
	s7 =	simm.s32 @!p0 $0x108  }
0x21: {  	s3 =	sadd.s32 s3, s9;
	s6 =	sadd.s32 @!p0 $0x88, s6;
	s7 =	simm.s32 @p2 $0x1082  }
0x22: {  	[simem:s7], [sflag:s8] =	dma.local @!p0 [hbm:s6], $0xF7A  }
0x23: {  	s9 =	sor.u32 $0xD0000000, s2;
	s6 =	simm.s32 $0x108;
	_ =	swait.ge @!p0 [sflag:s8], $0x0  }
0x24: {  	s3 =	sadd.s32 $0x88, s3;
	s6 =	simm.s32 @!p1 $0x1082;
	[sflag:s4] =	ssyncset.s32 $0xFFFFF086  }
0x25: {  	[simem:s6], [sflag:s4] =	dma.local [hbm:s3], $0xF7A  }
0x26: {  	[smem:$0x3F9C] =	sst s1;
	(tag) =	ssettag s2;
	_ =	strace s9  }
0x27: {  	s1 =	sld [smem:$0x3FAC]  }
0x28: {  	s2 =	sld [smem:$0x3FAD]  }
0x29: {  	s4 =	sld [smem:$0x3FAF]  }
0x2a: {  	p0 =	seq.s32 s5, $0x0;
	s5 =	sld [smem:$0x3FB0]  }
0x2b: {  	s6 =	sld [smem:$0x3FB1]  }
0x2c: {  	s7 =	sld [smem:$0x3FB2]  }
0x2d: {  	s3 =	simm.s32 $0x108;
	s8 =	sld [smem:$0x3FB3]  }
0x2e: {  	s3 =	simm.s32 @!p0 $0x1082;
	s9 =	sld [smem:$0x3FB4]  }
0x2f: {  	lr =	sadd.s32 s0, s3;
	s0 =	sld [smem:$0x3FAB]  }
0x30: {  	s3 =	sld [smem:$0x3FAE]  }
0x31: {  	[smem:$0x3FB7] =	sst s10  }
0x32: {  	s10 =	sld [smem:$0x3FB5];
	_ =	sdelay $0x3  }
0x33: {  	p0 =	seq.s32 s10, $0x1;
	s10 =	sld [smem:$0x3FB7];
	_ =	sdelay $0x3  }
0x34: {  	[smem:$0x3FB7] =	sst s10  }
0x35: {  	s10 =	sld [smem:$0x3FB6];
	_ =	sdelay $0x3  }
0x36: {  	p1 =	seq.s32 s10, $0x1;
	s10 =	sld [smem:$0x3FB7];
	_ =	sdelay $0x3  }
0x37: {  	[smem:$0x3FB7] =	sst s10  }
0x38: {  	s10 =	sld [smem:$0x3FB8]  }
0x39: {  	_ = 	snop;
	(pc) =	sbr.ind lr, $3  }
0x3a: {  	_ = 	snop  }
0x3b: {  	_ = 	snop  }
0x3c: {  	p2 =	seq.s32 s10, $0x1;
	s10 =	sld [smem:$0x3FB7]  }
0x3d: {  	_ =	shalt  }
0x3e: {  	_ =	shalt  }
0x3f: {  	_ =	shalt  }
0x40: {  	_ =	shalt  }
0x41: {  	_ =	shalt  }
0x42: {  	_ =	shalt  }
0x43: {  	_ =	shalt  }
0x44: {  	_ =	shalt  }
0x45: {  	_ =	shalt  }
0x46: {  	_ =	shalt  }
0x47: {  	_ =	shalt  }
0x48: {  	_ =	shalt  }
0x49: {  	_ =	shalt  }
0x4a: {  	_ =	shalt  }
0x4b: {  	_ =	shalt  }
0x4c: {  	_ =	shalt  }
0x4d: {  	_ =	shalt  }
0x4e: {  	_ =	shalt  }
0x4f: {  	_ =	shalt  }
0x50: {  	_ =	shalt  }
0x51: {  	_ =	shalt  }
0x52: {  	_ =	shalt  }
0x53: {  	_ =	shalt  }
0x54: {  	_ =	shalt  }
0x55: {  	_ =	shalt  }
0x56: {  	_ =	shalt  }
0x57: {  	_ =	shalt  }
0x58: {  	_ =	shalt  }
0x59: {  	_ =	shalt  }
0x5a: {  	_ =	shalt  }
0x5b: {  	_ =	shalt  }
0x5c: {  	_ =	shalt  }
0x5d: {  	_ =	shalt  }
0x5e: {  	_ =	shalt  }
0x5f: {  	_ =	shalt  }
0x60: {  	_ =	shalt  }
0x61: {  	_ =	shalt  }
0x62: {  	_ =	shalt  }
0x63: {  	_ =	shalt  }
0x64: {  	_ =	shalt  }
0x65: {  	_ =	shalt  }
0x66: {  	_ =	shalt  }
0x67: {  	_ =	shalt  }
0x68: {  	_ =	shalt  }
0x69: {  	_ =	shalt  }
0x6a: {  	_ =	shalt  }
0x6b: {  	_ =	shalt  }
0x6c: {  	_ =	shalt  }
0x6d: {  	_ =	shalt  }
0x6e: {  	_ =	shalt  }
0x6f: {  	_ =	shalt  }
0x70: {  	_ =	shalt  }
0x71: {  	_ =	shalt  }
0x72: {  	_ =	shalt  }
0x73: {  	_ =	shalt  }
0x74: {  	_ =	shalt  }
0x75: {  	_ =	shalt  }
0x76: {  	_ =	shalt  }
0x77: {  	_ =	shalt  }
0x78: {  	_ =	shalt  }
0x79: {  	_ =	shalt  }
0x7a: {  	_ =	shalt  }
0x7b: {  	_ =	shalt  }
0x7c: {  	_ =	shalt  }
0x7d: {  	_ =	shalt  }
0x7e: {  	_ =	shalt  }
0x7f: {  	_ =	shalt  }
0x80: {  	_ =	shalt  }
0x81: {  	_ =	shalt  }
0x82: {  	_ =	shalt  }
0x83: {  	_ =	shalt  }
0x84: {  	_ =	shalt  }
0x85: {  	_ =	shalt  }
0x86: {  	_ =	shalt  }
0x87: {  	_ =	shalt  }
.Lfunc_end0:
.L_simem_size_0:
called_computation_lowered:
.L_overlay_start_0:
0x88: {  	s2 =	sld [smem:$0x3FD9]  }
0x89: {  	s3 =	sld [smem:$0x3FFE];
	_ =	sdelay $0x1  }
0x8a: {  	s1 =	srdreg.scid  }
0x8b: {  	s0 =	sand.u32 $0x1, s1  }
0x8c: {  	s16 =	sshll.u32 s0, $0xA;
	s2 =	sadd.s32 s3, s2  }
0x8d: {  	s2 =	sadd.s32 s2, s16  }
0x8e: {  	[smem:$0x3FC3] =	sst s2  }
0x8f: {  	_ = 	snop  }
0x90: {  	(tm) =	ssettm $0x1  }
0x91: {  	s17 =	sld [smem:$0x3FFB];
	_ =	sdelay $0x3  }
0x92: {  	_ =	strace s17  }
0x93: {  	s2 =	sld [smem:$0x3FFC];
	_ =	sdelay $0x3  }
0x94: {  	_ =	strace s2  }
0x95: {  	s2 =	sld [smem:$0x3FFD];
	_ =	sdelay $0x3  }
0x96: {  	_ =	strace s2  }
0x97: {  	_ =	strace $0x8FFFFFFF  }
0x98: {  	s18 =	sld [smem:$0x3FDB];
	_ =	sdelay $0x1  }
0x99: {  	s19 =	simm.s32 $_scs_section_size  }
0x9a: {  	s4 =	simm.s32 $_size__tile_overlayer_lowered;
	s5 =	simm.s32 $_tile_overlayer_lowered  }
0x9b: {  	s22 =	simm.s32 $0x1BFF;
	s21 =	sshll.u32 s5, $0x1;
	s2 =	sadd.s32 s19, s18  }
0x9c: {  	s6 =	simm.s32 $0x0;
	s20 =	sshll.u32 s4, $0x1;
	s4 =	sadd.s32 s21, s2  }
0x9d: {  	[timem:s6], [sflag:s22] =	dma.local [hbm:s4], s20  }
0x9e: {  	_ =	swait.ge [sflag:s22], s20  }
0x9f: {  	s3 =	ssub.s32 $0x0, s20;
	[sflag:s22] =	ssyncset.done $0x0  }
0xa0: {  	[sflag:s22] =	ssyncadd.s32 s3;
	_ =	sdelay $0x1  }
0xa1: {  	s23 =	simm.s32 $0x1B8B  }
0xa2: {  	_ =	swait.ge [sflag:s23], $0x1  }
0xa3: {  	[sflag:s23] =	ssyncset.done $0x0  }
0xa4: {  	s25 =	simm.s32 $0x1B8E;
	s24 =	sld [smem:$0x3FFE];
	[sflag:s23] =	ssyncadd.s32 $0xFFFFFFFF  }
0xa5: {  	s26 =	simm.s32 $execute0_lowered;
	[smem:$0x3FD2] =	sst s25  }
0xa6: {  	s4 =	sshll.u32 s26, $0x1;
	_ =	strace $0x80000046;
	[dreg:$0x1] =	wrdreg $0xFFFFFFFF  }
0xa7: {  	s28 =	simm.s32 $_size_execute0_lowered;
	s2 =	sadd.s32 s2, s4;
	[dreg:$0x0] =	wrdreg $0x0  }
0xa8: {  	s4 =	sshll.u32 s28, $0x1;
	[dreg:$0x2] =	wrdreg s2  }
0xa9: {  	[dreg:$0x3] =	wrdreg s4  }
0xaa: {  	[dreg:$0x4] =	wrdreg $0xC0  }
0xab: {  	_ =	task [dreg:s6], $0x5FFFF  }
0xac: {  	[dreg:$0x1] =	wrdreg $0xFFFFFFFF  }
0xad: {  	[dreg:$0x0] =	wrdreg $0x60  }
0xae: {  	[dreg:$0x2] =	wrdreg s24  }
0xaf: {  	[dreg:$0x3] =	wrdreg $0x9  }
0xb0: {  	_ =	task.clear_ibuf [dreg:s6], $0x4FFFF;
	_ =	strace $0x90000046  }
0xb1: {  	s29 =	simm.s32 $0x9;
	_ =	strace $0x80000048  }
0xb2: {  	_ =	swait.ge [sflag:s29], $0x1  }
0xb3: {  	[sflag:s29] =	ssyncadd.s32 $0xFFFFFFFF  }
0xb4: {  	_ =	strace $0x90000048  }
0xb5: {  	_ =	sfence  }
0xb6: {  	s30 =	sld [smem:$0x0];
	_ =	sdelay $0x2  }
0xb7: {  	s31 =	sshll.u32 s1, $0xD;
	s1 =	sshrl.u32 s1, $0x2  }
0xb8: {  	s3 =	sand.u32 $0x4000, s31;
	s1 =	sadd.s32 s1, s30  }
0xb9: {  	s0 =	sor.u32 s3, s0;
	s1 =	sshll.u32 s1, $0x11  }
0xba: {  	s0 =	sor.u32 s1, s0  }
0xbb: {  	s0 =	sadd.s32 $0x8F2B, s0  }
0xbc: {  	[sflag:s0] =	ssyncadd.remote.s32 $0x1  }
0xbd: {  	_ =	sfence.sel $0xFFFF  }
0xbe: {  	[dreg:$0x0] =	wrdreg $0xFFFFFFFF;
	(pc) =	sbr.abs _section_cstart, $3  }
0xbf: {  	[dreg:$0x1] =	wrdreg $0xFFFFFFFF  }
0xc0: {  	_ =	task.clear_ibuf [dreg:s6], $0x2FFFF;
	_ =	strace $0x9FFFFFFF  }
0xc1: {  	(tm) =	ssettm $0x7FFFFFFF  }
tec
execute0_lowered:
.L_overlay_start_1:
0x0: {  	(tag) =	ssettag $0x1  }
0x1: {  	s1 =	srdreg.scid;
	s0 =	stileid.u32  }
0x2: {  	s18 =	sand.u32 $0x1, s1;
	s30 =	sshll.u32 s0, $0x1  }
0x3: {  	s17 =	rddreg [dreg:$0x0];
	s15 =	sor.u32 s18, s30  }
0x4: {  	s2 =	simm.s32 $0x0;
	s1 =	rddreg [dreg:$0x1];
	s3 =	sshll.u32 s15, $0x7  }
0x5: {  	[smem:$0x7FF] =	sst s2;
	s16 =	sadd.s32 s3, s17  }
0x6: {  	_ =	strace $0x80000047;
	s3 =	simm.s32 $0x2;
	s4 =	sadd.s32 $0x634600, s16  }
0x7: {  	[tilespmem:s2], [sflag:$0x2] =	stream.linear.gather [hbm4b:s4+s2], $0x400, $0x38;
	[tilespmem:$0xC400] =	vst v63  }
0x8: {  	_ =	swait.ge [sflag:s3], $0x400  }
0x9: {  	s6 =	simm.s32 $0x80;
	[sflag:s3] =	ssyncset.done $0x0  }
0xa: {  	s7 =	simm.s32 $0x400;
	s5 =	sadd.s32 $0xD200, s17;
	[sflag:s3] =	ssyncadd.s32 $0xFFFFFC00  }
0xb: {  	[tilespmem:s7], [sflag:$0x1] =	stream.indirect.gather [hbm4b:s5+s6], $0x80, s2, s6, $0xb8;
	[tilespmem:$0xC400] =	vst v63  }
0xc: {  	s8 =	simm.s32 $0x4400  }
0xd: {  	[tilespmem:s8], [sflag:$0x1] =	stream.indirect.gather [hbm4b:s5+s6], $0x80, s6, s6, $0xb8;
	[tilespmem:$0xC400] =	vst v63  }
0xe: {  	s9 =	simm.s32 $0x100;
	s10 =	simm.s32 $0x8400;
	s11 =	simm.s32 $0x1  }
0xf: {  	[tilespmem:s10], [sflag:$0x1] =	stream.indirect.gather [hbm4b:s5+s6], $0x80, s9, s6, $0xb8;
	[tilespmem:$0xC400] =	vst v63  }
0x10: {  	_ =	swait.ge [sflag:s11], $0x4000  }
0x11: {  	[sflag:s11] =	ssyncset.done $0x0  }
0x12: {  	[sflag:s11] =	ssyncadd.s32 $0xFFFFC000  }
0x13: {  	_ =	swait.ge [sflag:s11], $0x4000  }
0x14: {  	[sflag:s11] =	ssyncset.done $0x0  }
0x15: {  	[sflag:s11] =	ssyncadd.s32 $0xFFFFC000  }
0x16: {  	s12 =	smul.u32 $0x1800, s15;
	_ =	swait.ge [sflag:s11], $0x4000  }
0x17: {  	s19 =	sadd.s32 $0x637600, s17;
	[sflag:s11] =	ssyncset.done $0x0  }
0x18: {  	s12 =	sadd.s32 s19, s12;
	[sflag:s11] =	ssyncadd.s32 $0xFFFFC000  }
0x19: {  	[hbm4b:s12+s2] =	stream.linear.scatter [tilespmem:s7], [sflag:$0x2], $0xC000, $0x38;
	[tilespmem:$0xC400] =	vst v63  }
0x1a: {  	_ =	swait.ge [sflag:s3], $0xC000  }
0x1b: {  	[sflag:s3] =	ssyncset.done $0x0  }
0x1c: {  	s13 =	sadd.s32 $0x635600, s16;
	[sflag:s3] =	ssyncadd.s32 $0xFFFF4000  }
0x1d: {  	[tilespmem:s2], [sflag:$0x2] =	stream.linear.gather [hbm4b:s13+s2], $0x400, $0x38;
	[tilespmem:$0xC400] =	vst v63  }
0x1e: {  	_ =	swait.ge [sflag:s3], $0x400  }
0x1f: {  	[sflag:s3] =	ssyncset.done $0x0  }
0x20: {  	s14 =	sadd.s32 $0x4BD200, s17;
	[sflag:s3] =	ssyncadd.s32 $0xFFFFFC00  }
0x21: {  	[tilespmem:s7], [sflag:$0x1] =	stream.indirect.gather [hbm4b:s14+s6], $0x80, s2, s6, $0xb8;
	[tilespmem:$0xC400] =	vst v63  }
0x22: {  	_ = 	snop  }
0x23: {  	[tilespmem:s8], [sflag:$0x1] =	stream.indirect.gather [hbm4b:s14+s6], $0x80, s6, s6, $0xb8;
	[tilespmem:$0xC400] =	vst v63  }
0x24: {  	_ = 	snop  }
0x25: {  	[tilespmem:s10], [sflag:$0x1] =	stream.indirect.gather [hbm4b:s14+s6], $0x80, s9, s6, $0xb8;
	[tilespmem:$0xC400] =	vst v63  }
0x26: {  	_ =	swait.ge [sflag:s11], $0x4000  }
0x27: {  	[sflag:s11] =	ssyncset.done $0x0  }
0x28: {  	[sflag:s11] =	ssyncadd.s32 $0xFFFFC000  }
0x29: {  	_ =	swait.ge [sflag:s11], $0x4000  }
0x2a: {  	s15 =	smul.u32 $0xC000, s15;
	[sflag:s11] =	ssyncset.done $0x0  }
0x2b: {  	[sflag:s11] =	ssyncadd.s32 $0xFFFFC000  }
0x2c: {  	s15 =	sshrl.u32 s15, $0x3;
	_ =	swait.ge [sflag:s11], $0x4000  }
0x2d: {  	s19 =	sadd.s32 s19, s15;
	[sflag:s11] =	ssyncset.done $0x0  }
0x2e: {  	s15 =	sadd.s32 $0x30000, s19;
	[sflag:s11] =	ssyncadd.s32 $0xFFFFC000  }
0x2f: {  	[hbm4b:s15+s2] =	stream.linear.scatter [tilespmem:s7], [sflag:$0x2], $0xC000, $0x38;
	[tilespmem:$0xC400] =	vst v63  }
0x30: {  	_ =	swait.ge [sflag:s3], $0xC000  }
0x31: {  	[sflag:s3] =	ssyncset.done $0x0  }
0x32: {  	s16 =	sadd.s32 $0x636600, s16;
	[sflag:s3] =	ssyncadd.s32 $0xFFFF4000  }
0x33: {  	[tilespmem:s2], [sflag:$0x2] =	stream.linear.gather [hbm4b:s16+s2], $0x400, $0x38;
	[tilespmem:$0xC400] =	vst v63  }
0x34: {  	_ =	swait.ge [sflag:s3], $0x400  }
0x35: {  	[sflag:s3] =	ssyncset.done $0x0  }
0x36: {  	s17 =	sadd.s32 $0x5E9600, s17;
	[sflag:s3] =	ssyncadd.s32 $0xFFFFFC00  }
0x37: {  	[tilespmem:s7], [sflag:$0x1] =	stream.indirect.gather [hbm4b:s17+s6], $0x80, s2, s6, $0xb8;
	[tilespmem:$0xC400] =	vst v63  }
0x38: {  	_ = 	snop  }
0x39: {  	[tilespmem:s8], [sflag:$0x1] =	stream.indirect.gather [hbm4b:s17+s6], $0x80, s6, s6, $0xb8;
	[tilespmem:$0xC400] =	vst v63  }
0x3a: {  	_ = 	snop  }
0x3b: {  	[tilespmem:s10], [sflag:$0x1] =	stream.indirect.gather [hbm4b:s17+s6], $0x80, s9, s6, $0xb8;
	[tilespmem:$0xC400] =	vst v63  }
0x3c: {  	_ =	swait.ge [sflag:s11], $0x4000  }
0x3d: {  	[sflag:s11] =	ssyncset.done $0x0  }
0x3e: {  	s18 =	ssub.s32 $0x2, s18;
	[sflag:s11] =	ssyncadd.s32 $0xFFFFC000  }
0x3f: {  	s20 =	sshrl.u32 s18, $0x1;
	_ =	swait.ge [sflag:s11], $0x4000  }
0x40: {  	s20 =	ssub.s32 s18, s20;
	[sflag:s11] =	ssyncset.done $0x0  }
0x41: {  	s31 =	smax.u32 s20, $0x1;
	[sflag:s11] =	ssyncadd.s32 $0xFFFFC000  }
0x42: {  	p0 =	sne.s32 s31, $0x1;
	_ =	swait.ge [sflag:s11], $0x4000  }
.Ltmp0:
0x43: {  	[sflag:s11] =	ssyncset.done $0x0;
	(pc) =	sbr.rel @!p0 .LBB2_2-.Ltmp0, $4  }
0x44: {  	s18 =	sadd.s32 $0x60000, s19;
	[sflag:s11] =	ssyncadd.s32 $0xFFFFC000  }
0x45: {  	[hbm4b:s18+s2] =	stream.linear.scatter [tilespmem:s7], [sflag:$0x2], $0xC000, $0x38;
	[tilespmem:$0xC400] =	vst v63  }
0x46: {  	_ =	swait.ge [sflag:s3], $0xC000  }
0x47: {  	s19 =	sadd.s32 $0xFFFFFFFF, s31;
	[sflag:s3] =	ssyncset.done $0x0  }
.LBB2_1:
0x48: {  	p0 =	sne.s32 s19, $0x1;
	s19 =	sadd.s32 $0xFFFFFFFF, s19;
	[sflag:s3] =	ssyncadd.s32 $0xFFFF4000  }
0x49: {  	[tilespmem:s2], [sflag:$0x2] =	stream.linear.gather [hbm4b:s4+s2], $0x400, $0x38;
	[tilespmem:$0xC400] =	vst v63  }
0x4a: {  	_ =	swait.ge [sflag:s3], $0x400  }
0x4b: {  	[sflag:s3] =	ssyncset.done $0x0  }
0x4c: {  	[sflag:s3] =	ssyncadd.s32 $0xFFFFFC00  }
0x4d: {  	[tilespmem:s7], [sflag:$0x1] =	stream.indirect.gather [hbm4b:s5+s6], $0x80, s2, s6, $0xb8;
	[tilespmem:$0xC400] =	vst v63  }
0x4e: {  	_ = 	snop  }
0x4f: {  	[tilespmem:s8], [sflag:$0x1] =	stream.indirect.gather [hbm4b:s5+s6], $0x80, s6, s6, $0xb8;
	[tilespmem:$0xC400] =	vst v63  }
0x50: {  	_ = 	snop  }
0x51: {  	[tilespmem:s10], [sflag:$0x1] =	stream.indirect.gather [hbm4b:s5+s6], $0x80, s9, s6, $0xb8;
	[tilespmem:$0xC400] =	vst v63  }
0x52: {  	_ =	swait.ge [sflag:s11], $0x4000  }
0x53: {  	[sflag:s11] =	ssyncset.done $0x0  }
0x54: {  	[sflag:s11] =	ssyncadd.s32 $0xFFFFC000  }
0x55: {  	_ =	swait.ge [sflag:s11], $0x4000  }
0x56: {  	[sflag:s11] =	ssyncset.done $0x0  }
0x57: {  	[sflag:s11] =	ssyncadd.s32 $0xFFFFC000  }
0x58: {  	_ =	swait.ge [sflag:s11], $0x4000  }
0x59: {  	[sflag:s11] =	ssyncset.done $0x0  }
0x5a: {  	[sflag:s11] =	ssyncadd.s32 $0xFFFFC000  }
0x5b: {  	[hbm4b:s12+s2] =	stream.linear.scatter [tilespmem:s7], [sflag:$0x2], $0xC000, $0x38;
	[tilespmem:$0xC400] =	vst v63  }
0x5c: {  	_ =	swait.ge [sflag:s3], $0xC000  }
0x5d: {  	[sflag:s3] =	ssyncset.done $0x0  }
0x5e: {  	[sflag:s3] =	ssyncadd.s32 $0xFFFF4000  }
0x5f: {  	[tilespmem:s2], [sflag:$0x2] =	stream.linear.gather [hbm4b:s13+s2], $0x400, $0x38;
	[tilespmem:$0xC400] =	vst v63  }
0x60: {  	_ =	swait.ge [sflag:s3], $0x400  }
0x61: {  	[sflag:s3] =	ssyncset.done $0x0  }
0x62: {  	[sflag:s3] =	ssyncadd.s32 $0xFFFFFC00  }
0x63: {  	[tilespmem:s7], [sflag:$0x1] =	stream.indirect.gather [hbm4b:s14+s6], $0x80, s2, s6, $0xb8;
	[tilespmem:$0xC400] =	vst v63  }
0x64: {  	_ = 	snop  }
0x65: {  	[tilespmem:s8], [sflag:$0x1] =	stream.indirect.gather [hbm4b:s14+s6], $0x80, s6, s6, $0xb8;
	[tilespmem:$0xC400] =	vst v63  }
0x66: {  	_ = 	snop  }
0x67: {  	[tilespmem:s10], [sflag:$0x1] =	stream.indirect.gather [hbm4b:s14+s6], $0x80, s9, s6, $0xb8;
	[tilespmem:$0xC400] =	vst v63  }
0x68: {  	_ =	swait.ge [sflag:s11], $0x4000  }
0x69: {  	[sflag:s11] =	ssyncset.done $0x0  }
0x6a: {  	[sflag:s11] =	ssyncadd.s32 $0xFFFFC000  }
0x6b: {  	_ =	swait.ge [sflag:s11], $0x4000  }
0x6c: {  	[sflag:s11] =	ssyncset.done $0x0  }
0x6d: {  	[sflag:s11] =	ssyncadd.s32 $0xFFFFC000  }
0x6e: {  	_ =	swait.ge [sflag:s11], $0x4000  }
0x6f: {  	[sflag:s11] =	ssyncset.done $0x0  }
0x70: {  	[sflag:s11] =	ssyncadd.s32 $0xFFFFC000  }
0x71: {  	[hbm4b:s15+s2] =	stream.linear.scatter [tilespmem:s7], [sflag:$0x2], $0xC000, $0x38;
	[tilespmem:$0xC400] =	vst v63  }
0x72: {  	_ =	swait.ge [sflag:s3], $0xC000  }
0x73: {  	[sflag:s3] =	ssyncset.done $0x0  }
0x74: {  	[sflag:s3] =	ssyncadd.s32 $0xFFFF4000  }
0x75: {  	[tilespmem:s2], [sflag:$0x2] =	stream.linear.gather [hbm4b:s16+s2], $0x400, $0x38;
	[tilespmem:$0xC400] =	vst v63  }
0x76: {  	_ =	swait.ge [sflag:s3], $0x400  }
0x77: {  	[sflag:s3] =	ssyncset.done $0x0  }
0x78: {  	[sflag:s3] =	ssyncadd.s32 $0xFFFFFC00  }
0x79: {  	[tilespmem:s7], [sflag:$0x1] =	stream.indirect.gather [hbm4b:s17+s6], $0x80, s2, s6, $0xb8;
	[tilespmem:$0xC400] =	vst v63  }
0x7a: {  	_ = 	snop  }
0x7b: {  	[tilespmem:s8], [sflag:$0x1] =	stream.indirect.gather [hbm4b:s17+s6], $0x80, s6, s6, $0xb8;
	[tilespmem:$0xC400] =	vst v63  }
0x7c: {  	_ = 	snop  }
0x7d: {  	[tilespmem:s10], [sflag:$0x1] =	stream.indirect.gather [hbm4b:s17+s6], $0x80, s9, s6, $0xb8;
	[tilespmem:$0xC400] =	vst v63  }
0x7e: {  	_ =	swait.ge [sflag:s11], $0x4000  }
0x7f: {  	[sflag:s11] =	ssyncset.done $0x0  }
0x80: {  	[sflag:s11] =	ssyncadd.s32 $0xFFFFC000  }
0x81: {  	_ =	swait.ge [sflag:s11], $0x4000  }
0x82: {  	[sflag:s11] =	ssyncset.done $0x0  }
0x83: {  	[sflag:s11] =	ssyncadd.s32 $0xFFFFC000  }
0x84: {  	_ =	swait.ge [sflag:s11], $0x4000  }
.Ltmp1:
0x85: {  	[sflag:s11] =	ssyncset.done $0x0;
	(pc) =	sbr.rel @p0 .LBB2_1-.Ltmp1, $4  }
0x86: {  	[sflag:s11] =	ssyncadd.s32 $0xFFFFC000  }
0x87: {  	[hbm4b:s18+s2] =	stream.linear.scatter [tilespmem:s7], [sflag:$0x2], $0xC000, $0x38;
	[tilespmem:$0xC400] =	vst v63  }
0x88: {  	_ =	swait.ge [sflag:s3], $0xC000  }
0x89: {  	[sflag:s3] =	ssyncset.done $0x0  }
.LBB2_2:
0x8a: {  	[sflag:s3] =	ssyncadd.s32 $0xFFFF4000  }
0x8b: {  	_ =	sfence.sel $0x180000  }
0x8c: {  	[bflag:$0x0] =	sbarrier.arrive $0xFFFF  }
0x8d: {  	p0 =	sne.s32 s0, $0x0;
	_ =	strace $0x90000047  }
0x8e: {  	s0 =	sadd.s32 @!p0 $0x100000, s1;
	[bflag:$0x2] =	sbarrier.arrive $0xFFFF  }
0x8f: {  	[sflag:s0] =	ssyncadd.tile.s32 @!p0 $0x1;
	_ =	shalt  }
.Lfunc_end2:
_tile_overlayer_lowered:
.L_overlay_start_2:
0x90: {  	(tag) =	ssettag $0x2  }
0x91: {  	s0 =	rddreg [dreg:$0x0];
	s2 =	stileid.u32  }
0x92: {  	s1 =	rddreg [dreg:$0x1];
	p0 =	sne.s32 s2, $0x0  }
0x93: {  	s3 =	rddreg [dreg:$0x2];
	[bflag:$0x3] =	sbarrier.arrive $0xFFFF;
	s2 =	simm.s32 @!p0 $0x1C02  }
0x94: {  	[timem:s3], [sflag:s2] =	dma.local @!p0 [hbm:s0], s1  }
0x95: {  	s0 =	simm.s32 @!p0 $0x2  }
0x96: {  	_ =	swait.ge @!p0 [sflag:s0], s1  }
0x97: {  	s1 =	ssub.s32 @!p0 $0x0, s1;
	[sflag:s0] =	ssyncset.done @!p0 $0x0  }
0x98: {  	[sflag:s0] =	ssyncadd.s32 @!p0 s1  }
0x99: {  	[bflag:$0x3] =	sbarrier.arrive $0xFFFF  }
0x9a: {  	_ =	shalt  }

</sc_bundles>
